<compile_context>
chip_gen: v7x
topology: tpu7x:2x2x1
jax: 0.10.2.dev20260603
libtpu: 0.0.44.dev20260713+nightly
codegen_flags: <defaults>
</compile_context>

<pallas_src>
import functools

import jax
import jax.numpy as jnp
from jax import lax
from jax.experimental import pallas as pl
from jax.experimental.pallas import tpu as pltpu
from jax.experimental.pallas import tpu_sc as plsc

N_NODES = 10000
N_EDGES = 160000
D_FEAT = 128
D_EDGE = 4
R_DIM = 8
HID = 64
N_IRR = D_FEAT * (1 + D_EDGE)

NC = 2
NS = 16
NW = NC * NS

EBLK = 128
NBLK = N_EDGES // EBLK
CCH = 128
NCH = N_IRR // CCH
DRAIN_ROWS = 632

GBLK_PER_TILE = 40
E_PAD = 32 * GBLK_PER_TILE * EBLK

SBLK_PER_TILE = 78
RCV_PAD_BLKS = 1312

EB_TC = 1280


def _sc_gather(node_feats, senders2d):
  mesh = plsc.VectorSubcoreMesh(core_axis_name="c", subcore_axis_name="s")

  @functools.partial(
      pl.kernel,
      out_type=jax.ShapeDtypeStruct((E_PAD, D_FEAT), jnp.float32),
      mesh=mesh,
      scratch_types=[
          pltpu.VMEM((GBLK_PER_TILE, EBLK), jnp.int32),
          pltpu.VMEM((EBLK, D_FEAT), jnp.float32),
          pltpu.VMEM((EBLK, D_FEAT), jnp.float32),
          pltpu.SemaphoreType.DMA,
          pltpu.SemaphoreType.DMA,
      ],
  )
  def gk(nf_hbm, snd_hbm, out_hbm, idx_v, buf_a, buf_b, sem_a, sem_b):
    wid = lax.axis_index("s") * NC + lax.axis_index("c")
    b0 = wid * GBLK_PER_TILE
    pltpu.sync_copy(snd_hbm.at[pl.ds(b0, GBLK_PER_TILE)], idx_v)

    def gstart(t, buf, sem):
      pltpu.async_copy(nf_hbm.at[idx_v.at[t]], buf, sem)

    def gwait(t, buf, sem):
      pltpu.make_async_copy(nf_hbm.at[idx_v.at[t]], buf, sem).wait()

    def wout(t, buf):
      pltpu.sync_copy(buf, out_hbm.at[pl.ds((b0 + t) * EBLK, EBLK)])

    gstart(0, buf_a, sem_a)

    def body(g, _):
      ta = 2 * g
      tb = 2 * g + 1
      gstart(tb, buf_b, sem_b)
      gwait(ta, buf_a, sem_a)
      wout(ta, buf_a)
      @pl.when(g < GBLK_PER_TILE // 2 - 1)
      def _():
        gstart(ta + 2, buf_a, sem_a)
      gwait(tb, buf_b, sem_b)
      wout(tb, buf_b)
      return ()

    lax.fori_loop(0, GBLK_PER_TILE // 2, body, ())

  return gk(node_feats, senders2d)


def _tc_messages(msg, edge_features, radial_embedding, W0, W1, W2, R, Q):
  isq8 = 1.0 / (8.0 ** 0.5)

  dn0 = (((0,), (0,)), ((), ()))

  def body(msg_ref, ef_ref, re_ref, w0_ref, w1_ref, w2_ref, r_ref, q_ref,
           out_ref):
    h = lax.dot_general(re_ref[...], w0_ref[...], dn0,
                        preferred_element_type=jnp.float32) * isq8
    h = h * jax.nn.sigmoid(h)
    h = jnp.dot(h, w1_ref[...], preferred_element_type=jnp.float32) * 0.125
    h = h * jax.nn.sigmoid(h)
    w = jnp.dot(h, w2_ref[...], preferred_element_type=jnp.float32) * (0.125 * 0.25)
    m = msg_ref[...]
    erep = lax.dot_general(ef_ref[...], q_ref[...], dn0,
                           preferred_element_type=jnp.float32)
    out_ref[:, 0:D_FEAT] = m * w[:, 0:D_FEAT]
    for a in range(4):
      lo = D_FEAT * (1 + a)
      mrep = jnp.dot(m[:, 32 * a:32 * a + 32], r_ref[...],
                     preferred_element_type=jnp.float32)
      out_ref[:, lo:lo + D_FEAT] = mrep * erep * w[:, lo:lo + D_FEAT]

  grid = (N_EDGES // EB_TC,)
  return pl.pallas_call(
      body,
      grid=grid,
      in_specs=[
          pl.BlockSpec((EB_TC, D_FEAT), lambda i: (i, 0)),
          pl.BlockSpec((D_EDGE, EB_TC), lambda i: (0, i)),
          pl.BlockSpec((R_DIM, EB_TC), lambda i: (0, i)),
          pl.BlockSpec((R_DIM, HID), lambda i: (0, 0)),
          pl.BlockSpec((HID, HID), lambda i: (0, 0)),
          pl.BlockSpec((HID, N_IRR), lambda i: (0, 0)),
          pl.BlockSpec((32, D_FEAT), lambda i: (0, 0)),
          pl.BlockSpec((D_EDGE, D_FEAT), lambda i: (0, 0)),
      ],
      out_specs=pl.BlockSpec((EB_TC, N_IRR), lambda i: (i, 0)),
      out_shape=jax.ShapeDtypeStruct((N_EDGES, N_IRR), jnp.float32),
  )(msg, edge_features.T, radial_embedding.T, W0, W1, W2, R, Q)


def _sc_scatter(mp, receivers2d, zeros_chunk):
  mesh = plsc.VectorSubcoreMesh(core_axis_name="c", subcore_axis_name="s")

  @functools.partial(
      pl.kernel,
      out_type=(jax.ShapeDtypeStruct((N_NODES, N_IRR), jnp.float32),
                jax.ShapeDtypeStruct((N_NODES, CCH), jnp.float32)),
      mesh=mesh,
      scratch_types=[
          pltpu.VMEM((88, EBLK), jnp.int32),
          pltpu.VMEM((8, EBLK), jnp.int32),
          pltpu.VMEM((EBLK, CCH), jnp.float32),
          pltpu.VMEM((EBLK, CCH), jnp.float32),
          pltpu.VMEM_SHARED((N_NODES, CCH), jnp.float32),
          pltpu.SemaphoreType.DMA,
          pltpu.SemaphoreType.DMA,
          pltpu.SemaphoreType.DMA,
          pltpu.SemaphoreType.DMA,
      ],
  )
  def sk(mp_hbm, rcv_hbm, z_hbm, out_hbm, part_hbm, rcv_v, rcv_rem, u0, u1,
         acc, l0, l1, s0, s1):
    c = lax.axis_index("c")
    s = lax.axis_index("s")

    r0 = s * DRAIN_ROWS
    lrows = N_NODES - 15 * DRAIN_ROWS

    for k in range(3):
      if k < 2:
        q = c * 3 + k
        npt = SBLK_PER_TILE
        blk_lo = 0
        rem_lo = 16 * SBLK_PER_TILE
        nrem = 2
        ring_n = SBLK_PER_TILE
      else:
        q = c * 0 + 2
        npt = 39
        blk_lo = c * 625
        rem_lo = blk_lo + 624
        nrem = 1
        ring_n = 38
      col = pl.multiple_of(q * CCH, CCH)

      base_b = blk_lo + s * npt
      delta = lax.rem(base_b, 8)
      base_al = pl.multiple_of(base_b - delta, 8)
      pltpu.sync_copy(rcv_hbm.at[pl.ds(base_al, 88)], rcv_v)
      rdelta = lax.rem(rem_lo, 8)
      rem_al = pl.multiple_of(rem_lo - rdelta, 8)
      @pl.when(s == 0)
      def _():
        pltpu.sync_copy(rcv_hbm.at[pl.ds(rem_al, 8)], rcv_rem)

      ubufs = (u0, u1)
      lsems = (l0, l1)
      ssems = (s0, s1)

      def lstart(t, j):
        off = (base_b + t) * EBLK
        pltpu.async_copy(mp_hbm.at[pl.ds(off, EBLK), pl.ds(col, CCH)],
                         ubufs[j], lsems[j])

      def lwait(j):
        pltpu.make_async_copy(mp_hbm.at[pl.ds(0, EBLK), pl.ds(col, CCH)],
                              ubufs[j], lsems[j]).wait()

      def sstart(t, j):
        pltpu.async_copy(ubufs[j], acc.at[rcv_v.at[t + delta]], ssems[j],
                         add=True)

      def swait(t, j):
        pltpu.make_async_copy(ubufs[j], acc.at[rcv_v.at[t + delta]],
                              ssems[j]).wait()

      @pl.when(s < NS - 1)
      def _():
        pltpu.sync_copy(z_hbm.at[pl.ds(r0, DRAIN_ROWS)],
                        acc.at[pl.ds(r0, DRAIN_ROWS)])
      @pl.when(s == NS - 1)
      def _():
        pltpu.sync_copy(z_hbm.at[pl.ds(r0, lrows)], acc.at[pl.ds(r0, lrows)])
      plsc.subcore_barrier()

      @pl.when(s == 0)
      def _():
        for rr in range(nrem):
          off = (rem_lo + rr) * EBLK
          pltpu.sync_copy(mp_hbm.at[pl.ds(off, EBLK), pl.ds(col, CCH)], u0)
          pltpu.sync_copy(u0, acc.at[rcv_rem.at[rdelta + rr]], add=True)

      lstart(0, 0)

      def body(g, _):
        t = 2 * g
        lwait(0)
        sstart(t, 0)
        @pl.when(g > 0)
        def _():
          swait(t - 1, 1)
        lstart(t + 1, 1)
        lwait(1)
        sstart(t + 1, 1)
        swait(t, 0)
        @pl.when(g < ring_n // 2 - 1)
        def _():
          lstart(t + 2, 0)
        return ()

      lax.fori_loop(0, ring_n // 2, body, ())
      swait(ring_n - 1, 1)
      if ring_n < npt:
        pltpu.sync_copy(mp_hbm.at[pl.ds((base_b + ring_n) * EBLK, EBLK),
                                  pl.ds(col, CCH)], u0)
        pltpu.sync_copy(u0, acc.at[rcv_v.at[ring_n + delta]], add=True)

      plsc.subcore_barrier()
      if k < 2:
        @pl.when(s < NS - 1)
        def _():
          pltpu.sync_copy(acc.at[pl.ds(r0, DRAIN_ROWS)],
                          out_hbm.at[pl.ds(r0, DRAIN_ROWS), pl.ds(col, CCH)])
        @pl.when(s == NS - 1)
        def _():
          pltpu.sync_copy(acc.at[pl.ds(r0, lrows)],
                          out_hbm.at[pl.ds(r0, lrows), pl.ds(col, CCH)])
      else:
        @pl.when(jnp.logical_and(c == 0, s < NS - 1))
        def _():
          pltpu.sync_copy(acc.at[pl.ds(r0, DRAIN_ROWS)],
                          out_hbm.at[pl.ds(r0, DRAIN_ROWS), pl.ds(col, CCH)])
        @pl.when(jnp.logical_and(c == 0, s == NS - 1))
        def _():
          pltpu.sync_copy(acc.at[pl.ds(r0, lrows)],
                          out_hbm.at[pl.ds(r0, lrows), pl.ds(col, CCH)])
        @pl.when(jnp.logical_and(c == 1, s < NS - 1))
        def _():
          pltpu.sync_copy(acc.at[pl.ds(r0, DRAIN_ROWS)],
                          part_hbm.at[pl.ds(r0, DRAIN_ROWS)])
        @pl.when(jnp.logical_and(c == 1, s == NS - 1))
        def _():
          pltpu.sync_copy(acc.at[pl.ds(r0, lrows)],
                          part_hbm.at[pl.ds(r0, lrows)])
      plsc.subcore_barrier()

  return sk(mp, receivers2d, zeros_chunk)


def kernel(node_feats, edge_features, radial_embedding, senders, receivers,
           W0, W1, W2):
  senders = senders.astype(jnp.int32)
  receivers = receivers.astype(jnp.int32)
  R = jnp.repeat(jnp.eye(32, dtype=jnp.float32), D_EDGE, axis=1)
  Q = jnp.tile(jnp.eye(D_EDGE, dtype=jnp.float32), (1, 32))

  senders2d = jnp.pad(senders, (0, E_PAD - N_EDGES),
                      mode="wrap").reshape(-1, EBLK)
  receivers2d = jnp.pad(receivers.reshape(NBLK, EBLK),
                        ((0, RCV_PAD_BLKS - NBLK), (0, 0)))

  msg = _sc_gather(node_feats, senders2d)
  mp = _tc_messages(msg, edge_features, radial_embedding, W0, W1, W2, R, Q)
  zeros_chunk = jnp.zeros((N_NODES, CCH), jnp.float32)
  main, part = _sc_scatter(mp, receivers2d, zeros_chunk)
  return main.at[:, 2 * CCH:3 * CCH].add(part)

# --- scband reference (transcript-rebuilt; emitter-appended) ---
"""Pipeline reference for scband-message-passing-convolution-19172734009580 (READ-ONLY COPY).

The authoritative reference and input builder live on the scoring server;
editing this copy changes nothing except your own understanding.
"""

import jax, jax.numpy as jnp
import numpy as np

N_NODES = 10000
N_EDGES = 160000
D_FEAT = 128
D_EDGE = 4
R_DIM = 8
HID = 64
NUM_IRREPS = D_FEAT + D_FEAT * D_EDGE  # 128 scalars + 128x4 tensor-product scalars = 640
AVG_NUM_NEIGHBORS = 16.0


def setup_inputs(seed: int = 0) -> dict:
    key = jax.random.key(seed)
    ks = jax.random.split(key, 8)
    node_feats = jax.random.normal(ks[0], (N_NODES, D_FEAT), dtype=jnp.float32)
    edge_features = jax.random.normal(ks[1], (N_EDGES, D_EDGE), dtype=jnp.float32)
    radial_embedding = jax.random.uniform(ks[2], (N_EDGES, R_DIM), dtype=jnp.float32)
    senders = jax.random.randint(ks[3], (N_EDGES,), 0, N_NODES, dtype=jnp.int64) if jax.config.jax_enable_x64 else jax.random.randint(ks[3], (N_EDGES,), 0, N_NODES, dtype=jnp.int32)
    receivers = jax.random.randint(ks[4], (N_EDGES,), 0, N_NODES, dtype=jnp.int32)
    # radial MLP params (e3nn-jax MultiLayerPerceptron: no bias, fan-in normalized)
    W0 = jax.random.normal(ks[5], (R_DIM, HID), dtype=jnp.float32)
    W1 = jax.random.normal(ks[6], (HID, HID), dtype=jnp.float32)
    W2 = jax.random.normal(ks[7], (HID, NUM_IRREPS), dtype=jnp.float32)
    return {
        "node_feats": node_feats,
        "edge_features": edge_features,
        "radial_embedding": radial_embedding,
        "senders": senders,
        "receivers": receivers,
        "W0": W0,
        "W1": W1,
        "W2": W2,
    }


def reference(node_feats, edge_features, radial_embedding, senders, receivers, W0, W1, W2):
    # gather node features onto edges (messages = node_feats[senders])
    msg = jnp.take(node_feats, senders, axis=0)  # [E, D_FEAT]
    # e3j.tensor_product of scalar irreps -> per-edge outer product, filtered to 0e
    tp = (msg[:, :, None] * edge_features[:, None, :]).reshape(msg.shape[0], -1)  # [E, D_FEAT*D_EDGE]
    # concatenate filtered messages with tensor-product features
    messages = jnp.concatenate([msg, tp], axis=1)  # [E, NUM_IRREPS]
    # radial MLP (no bias, fan-in normalized, silu hidden activations, linear output)
    h = jax.nn.silu(radial_embedding @ W0 / jnp.sqrt(W0.shape[0]))
    h = jax.nn.silu(h @ W1 / jnp.sqrt(W1.shape[0]))
    weights = h @ W2 / jnp.sqrt(W2.shape[0])  # [E, NUM_IRREPS]
    # modulate messages by radial weights (one weight per irrep; all irreps are scalars)
    messages = messages * weights
    # scatter-add into receiver nodes
    out = jnp.zeros((node_feats.shape[0], messages.shape[1]), messages.dtype).at[receivers].add(messages)
    return out / jnp.sqrt(AVG_NUM_NEIGHBORS)

if __name__ == "__main__":
    import jax
    _d = setup_inputs()
    print(jax.jit(kernel)(*tuple(_d.values())))

</pallas_src>

<mosaic_0001>
#map = affine_map<(d0, d1) -> (0, 0)>
module attributes {stable_mosaic.version = 14 : i64} {
  func.func @gk(%arg0: i32, %arg1: i32, %arg2: memref<10000x128xf32, #tpu.memory_space<hbm>>, %arg3: memref<1280x128xi32, #tpu.memory_space<hbm>>, %arg4: memref<163840x128xf32, #tpu.memory_space<hbm>>, %arg5: memref<40x128xi32, #tpu.memory_space<vmem>>, %arg6: memref<128x128xf32, #tpu.memory_space<vmem>>, %arg7: memref<128x128xf32, #tpu.memory_space<vmem>>, %arg8: memref<!tpu.dma_semaphore, #tpu.memory_space<semaphore_mem>>, %arg9: memref<!tpu.dma_semaphore, #tpu.memory_space<semaphore_mem>>) attributes {dimension_semantics = [#tpu.dimension_semantics<core_parallel>, #tpu.dimension_semantics<subcore_parallel>], iteration_bounds = array<i64: 2, 16>, scalar_prefetch = 0 : i64, scratch_operands = 5 : i64, tpu.core_type = #tpu.core_type<sc_vector_subcore>, window_params = [{transform_indices = #map}, {transform_indices = #map}, {transform_indices = #map}]} {
    %mul3A = arith.constant 2 : i32
    %mul3A_0 = arith.muli %arg1, %mul3A : i32
    %add3A = arith.addi %mul3A_0, %arg0 : i32
    %mul3A_1 = arith.constant 40 : i32
    %mul3A_2 = arith.muli %add3A, %mul3A_1 : i32
    "tpu.region"() ({
      %run_scoped3A = tpu.sem_alloc : memref<!tpu.dma_semaphore, #tpu.memory_space<semaphore_mem>>
      %dma_start3A_13 = arith.constant 0 : i32
      %dma_start3A_14 = tpu.memref_slice %arg3[%mul3A_2, %dma_start3A_13] : memref<1280x128xi32, #tpu.memory_space<hbm>> -> memref<40x128xi32, #tpu.memory_space<hbm>>
      %dma_start3A_15 = arith.constant 0 : i32
      %dma_start3A_16 = tpu.memref_slice %arg3[%mul3A_2, %dma_start3A_15] : memref<1280x128xi32, #tpu.memory_space<hbm>> -> memref<40x128xi32, #tpu.memory_space<hbm>>
      tpu.enqueue_dma source(%dma_start3A_16 : memref<40x128xi32, #tpu.memory_space<hbm>>) target(%arg5 : memref<40x128xi32, #tpu.memory_space<vmem>>) target_semaphore(%run_scoped3A : memref<!tpu.dma_semaphore, #tpu.memory_space<semaphore_mem>>)
      %dma_wait3A = arith.constant 0 : i32
      %dma_wait3A_17 = tpu.memref_slice %arg3[%mul3A_2, %dma_wait3A] : memref<1280x128xi32, #tpu.memory_space<hbm>> -> memref<40x128xi32, #tpu.memory_space<hbm>>
      %dma_wait3A_18 = arith.constant 0 : i32
      %dma_wait3A_19 = tpu.memref_slice %arg3[%mul3A_2, %dma_wait3A_18] : memref<1280x128xi32, #tpu.memory_space<hbm>> -> memref<40x128xi32, #tpu.memory_space<hbm>>
      tpu.wait_dma2 semaphore(%run_scoped3A : memref<!tpu.dma_semaphore, #tpu.memory_space<semaphore_mem>>) src(%dma_wait3A_19 : memref<40x128xi32, #tpu.memory_space<hbm>>) dst(%arg5 : memref<40x128xi32, #tpu.memory_space<vmem>>)
      tpu.yield
    }) : () -> ()
    %dma_start3A = arith.constant 0 : i32
    %dma_start3A_3 = arith.constant 0 : i32
    %dma_start3A_4 = tpu.memref_slice %arg5[%dma_start3A, %dma_start3A_3] : memref<40x128xi32, #tpu.memory_space<vmem>> -> memref<1x128xi32, #tpu.memory_space<vmem>>
    %dma_start3A_5 = tpu.memref_squeeze %dma_start3A_4 : memref<1x128xi32, #tpu.memory_space<vmem>> -> memref<128xi32, #tpu.memory_space<vmem>>
    %dma_start3A_6 = arith.constant 0 : i32
    %dma_start3A_7 = arith.constant 0 : i32
    %dma_start3A_8 = tpu.memref_slice %arg2[%dma_start3A_6, %dma_start3A_7] : memref<10000x128xf32, #tpu.memory_space<hbm>> -> memref<10000x128xf32, #tpu.memory_space<hbm>>
    tpu.enqueue_indirect_dma source(%dma_start3A_8 : memref<10000x128xf32, #tpu.memory_space<hbm>>) target(%arg6 : memref<128x128xf32, #tpu.memory_space<vmem>>) offsets(%dma_start3A_5 : memref<128xi32, #tpu.memory_space<vmem>>) semaphore(%arg8 : memref<!tpu.dma_semaphore, #tpu.memory_space<semaphore_mem>>)
    %scan3A = arith.constant 0 : i32
    %scan3A_9 = arith.constant 20 : i32
    %scan3A_10 = arith.addi %scan3A, %scan3A_9 : i32
    %scan3A_11 = arith.constant 1 : i32
    scf.for %scan3A_13 = %scan3A to %scan3A_10 step %scan3A_11  : i32 {
      %mul3A_14 = arith.constant 2 : i32
      %mul3A_15 = arith.muli %mul3A_14, %scan3A_13 : i32
      %mul3A_16 = arith.constant 2 : i32
      %mul3A_17 = arith.muli %mul3A_16, %scan3A_13 : i32
      %add3A_18 = arith.constant 1 : i32
      %add3A_19 = arith.addi %mul3A_17, %add3A_18 : i32
      %dma_start3A_20 = arith.constant 0 : i32
      %dma_start3A_21 = tpu.memref_slice %arg5[%add3A_19, %dma_start3A_20] : memref<40x128xi32, #tpu.memory_space<vmem>> -> memref<1x128xi32, #tpu.memory_space<vmem>>
      %dma_start3A_22 = tpu.memref_squeeze %dma_start3A_21 : memref<1x128xi32, #tpu.memory_space<vmem>> -> memref<128xi32, #tpu.memory_space<vmem>>
      %dma_start3A_23 = arith.constant 0 : i32
      %dma_start3A_24 = arith.constant 0 : i32
      %dma_start3A_25 = tpu.memref_slice %arg2[%dma_start3A_23, %dma_start3A_24] : memref<10000x128xf32, #tpu.memory_space<hbm>> -> memref<10000x128xf32, #tpu.memory_space<hbm>>
      tpu.enqueue_indirect_dma source(%dma_start3A_25 : memref<10000x128xf32, #tpu.memory_space<hbm>>) target(%arg7 : memref<128x128xf32, #tpu.memory_space<vmem>>) offsets(%dma_start3A_22 : memref<128xi32, #tpu.memory_space<vmem>>) semaphore(%arg9 : memref<!tpu.dma_semaphore, #tpu.memory_space<semaphore_mem>>)
      %dma_wait3A = arith.constant 0 : i32
      %dma_wait3A_26 = tpu.memref_slice %arg5[%mul3A_15, %dma_wait3A] : memref<40x128xi32, #tpu.memory_space<vmem>> -> memref<1x128xi32, #tpu.memory_space<vmem>>
      %dma_wait3A_27 = tpu.memref_squeeze %dma_wait3A_26 : memref<1x128xi32, #tpu.memory_space<vmem>> -> memref<128xi32, #tpu.memory_space<vmem>>
      %dma_wait3A_28 = arith.constant 0 : i32
      %dma_wait3A_29 = arith.constant 0 : i32
      %dma_wait3A_30 = tpu.memref_slice %arg2[%dma_wait3A_28, %dma_wait3A_29] : memref<10000x128xf32, #tpu.memory_space<hbm>> -> memref<10000x128xf32, #tpu.memory_space<hbm>>
      tpu.wait_indirect_dma semaphore(%arg8 : memref<!tpu.dma_semaphore, #tpu.memory_space<semaphore_mem>>) src(%dma_wait3A_30 : memref<10000x128xf32, #tpu.memory_space<hbm>>) dst(%arg6 : memref<128x128xf32, #tpu.memory_space<vmem>>)
      %add3A_31 = arith.addi %mul3A_2, %mul3A_15 : i32
      %mul3A_32 = arith.constant 128 : i32
      %mul3A_33 = arith.muli %add3A_31, %mul3A_32 : i32
      "tpu.region"() ({
        %run_scoped3A = tpu.sem_alloc : memref<!tpu.dma_semaphore, #tpu.memory_space<semaphore_mem>>
        %dma_start3A_45 = arith.constant 0 : i32
        %dma_start3A_46 = tpu.memref_slice %arg4[%mul3A_33, %dma_start3A_45] : memref<163840x128xf32, #tpu.memory_space<hbm>> -> memref<128x128xf32, #tpu.memory_space<hbm>>
        %dma_start3A_47 = arith.constant 0 : i32
        %dma_start3A_48 = tpu.memref_slice %arg4[%mul3A_33, %dma_start3A_47] : memref<163840x128xf32, #tpu.memory_space<hbm>> -> memref<128x128xf32, #tpu.memory_space<hbm>>
        tpu.enqueue_dma source(%arg6 : memref<128x128xf32, #tpu.memory_space<vmem>>) target(%dma_start3A_48 : memref<128x128xf32, #tpu.memory_space<hbm>>) target_semaphore(%run_scoped3A : memref<!tpu.dma_semaphore, #tpu.memory_space<semaphore_mem>>)
        %dma_wait3A_49 = arith.constant 0 : i32
        %dma_wait3A_50 = tpu.memref_slice %arg4[%mul3A_33, %dma_wait3A_49] : memref<163840x128xf32, #tpu.memory_space<hbm>> -> memref<128x128xf32, #tpu.memory_space<hbm>>
        %dma_wait3A_51 = arith.constant 0 : i32
        %dma_wait3A_52 = tpu.memref_slice %arg4[%mul3A_33, %dma_wait3A_51] : memref<163840x128xf32, #tpu.memory_space<hbm>> -> memref<128x128xf32, #tpu.memory_space<hbm>>
        tpu.wait_dma2 semaphore(%run_scoped3A : memref<!tpu.dma_semaphore, #tpu.memory_space<semaphore_mem>>) src(%arg6 : memref<128x128xf32, #tpu.memory_space<vmem>>) dst(%dma_wait3A_52 : memref<128x128xf32, #tpu.memory_space<hbm>>)
        tpu.yield
      }) : () -> ()
      %lt3A = arith.constant 19 : i32
      %lt3A_34 = arith.cmpi slt, %scan3A_13, %lt3A : i32
      %convert_element_type3A = arith.extui %lt3A_34 : i1 to i32
      %cond3A = arith.constant 0 : i32
      %cond3A_35 = arith.cmpi ne, %convert_element_type3A, %cond3A : i32
      scf.if %cond3A_35 {
        %add3A_45 = arith.constant 2 : i32
        %add3A_46 = arith.addi %mul3A_15, %add3A_45 : i32
        %dma_start3A_47 = arith.constant 0 : i32
        %dma_start3A_48 = tpu.memref_slice %arg5[%add3A_46, %dma_start3A_47] : memref<40x128xi32, #tpu.memory_space<vmem>> -> memref<1x128xi32, #tpu.memory_space<vmem>>
        %dma_start3A_49 = tpu.memref_squeeze %dma_start3A_48 : memref<1x128xi32, #tpu.memory_space<vmem>> -> memref<128xi32, #tpu.memory_space<vmem>>
        %dma_start3A_50 = arith.constant 0 : i32
        %dma_start3A_51 = arith.constant 0 : i32
        %dma_start3A_52 = tpu.memref_slice %arg2[%dma_start3A_50, %dma_start3A_51] : memref<10000x128xf32, #tpu.memory_space<hbm>> -> memref<10000x128xf32, #tpu.memory_space<hbm>>
        tpu.enqueue_indirect_dma source(%dma_start3A_52 : memref<10000x128xf32, #tpu.memory_space<hbm>>) target(%arg6 : memref<128x128xf32, #tpu.memory_space<vmem>>) offsets(%dma_start3A_49 : memref<128xi32, #tpu.memory_space<vmem>>) semaphore(%arg8 : memref<!tpu.dma_semaphore, #tpu.memory_space<semaphore_mem>>)
      } else {
      }
      %dma_wait3A_36 = arith.constant 0 : i32
      %dma_wait3A_37 = tpu.memref_slice %arg5[%add3A_19, %dma_wait3A_36] : memref<40x128xi32, #tpu.memory_space<vmem>> -> memref<1x128xi32, #tpu.memory_space<vmem>>
      %dma_wait3A_38 = tpu.memref_squeeze %dma_wait3A_37 : memref<1x128xi32, #tpu.memory_space<vmem>> -> memref<128xi32, #tpu.memory_space<vmem>>
      %dma_wait3A_39 = arith.constant 0 : i32
      %dma_wait3A_40 = arith.constant 0 : i32
      %dma_wait3A_41 = tpu.memref_slice %arg2[%dma_wait3A_39, %dma_wait3A_40] : memref<10000x128xf32, #tpu.memory_space<hbm>> -> memref<10000x128xf32, #tpu.memory_space<hbm>>
      tpu.wait_indirect_dma semaphore(%arg9 : memref<!tpu.dma_semaphore, #tpu.memory_space<semaphore_mem>>) src(%dma_wait3A_41 : memref<10000x128xf32, #tpu.memory_space<hbm>>) dst(%arg7 : memref<128x128xf32, #tpu.memory_space<vmem>>)
      %add3A_42 = arith.addi %mul3A_2, %add3A_19 : i32
      %mul3A_43 = arith.constant 128 : i32
      %mul3A_44 = arith.muli %add3A_42, %mul3A_43 : i32
      "tpu.region"() ({
        %run_scoped3A = tpu.sem_alloc : memref<!tpu.dma_semaphore, #tpu.memory_space<semaphore_mem>>
        %dma_start3A_45 = arith.constant 0 : i32
        %dma_start3A_46 = tpu.memref_slice %arg4[%mul3A_44, %dma_start3A_45] : memref<163840x128xf32, #tpu.memory_space<hbm>> -> memref<128x128xf32, #tpu.memory_space<hbm>>
        %dma_start3A_47 = arith.constant 0 : i32
        %dma_start3A_48 = tpu.memref_slice %arg4[%mul3A_44, %dma_start3A_47] : memref<163840x128xf32, #tpu.memory_space<hbm>> -> memref<128x128xf32, #tpu.memory_space<hbm>>
        tpu.enqueue_dma source(%arg7 : memref<128x128xf32, #tpu.memory_space<vmem>>) target(%dma_start3A_48 : memref<128x128xf32, #tpu.memory_space<hbm>>) target_semaphore(%run_scoped3A : memref<!tpu.dma_semaphore, #tpu.memory_space<semaphore_mem>>)
        %dma_wait3A_49 = arith.constant 0 : i32
        %dma_wait3A_50 = tpu.memref_slice %arg4[%mul3A_44, %dma_wait3A_49] : memref<163840x128xf32, #tpu.memory_space<hbm>> -> memref<128x128xf32, #tpu.memory_space<hbm>>
        %dma_wait3A_51 = arith.constant 0 : i32
        %dma_wait3A_52 = tpu.memref_slice %arg4[%mul3A_44, %dma_wait3A_51] : memref<163840x128xf32, #tpu.memory_space<hbm>> -> memref<128x128xf32, #tpu.memory_space<hbm>>
        tpu.wait_dma2 semaphore(%run_scoped3A : memref<!tpu.dma_semaphore, #tpu.memory_space<semaphore_mem>>) src(%arg7 : memref<128x128xf32, #tpu.memory_space<vmem>>) dst(%dma_wait3A_52 : memref<128x128xf32, #tpu.memory_space<hbm>>)
        tpu.yield
      }) : () -> ()
    }
    %scan3A_12 = arith.constant 20 : i32
    return
  }
}

#map = affine_map<(d0, d1) -> (0, 0)>
module attributes {stable_mosaic.version = 14 : i64} {
  func.func @sk(%arg0: i32, %arg1: i32, %arg2: memref<160000x640xf32, #tpu.memory_space<hbm>>, %arg3: memref<1312x128xi32, #tpu.memory_space<hbm>>, %arg4: memref<10000x128xf32, #tpu.memory_space<hbm>>, %arg5: memref<10000x640xf32, #tpu.memory_space<hbm>>, %arg6: memref<10000x128xf32, #tpu.memory_space<hbm>>, %arg7: memref<88x128xi32, #tpu.memory_space<vmem>>, %arg8: memref<8x128xi32, #tpu.memory_space<vmem>>, %arg9: memref<128x128xf32, #tpu.memory_space<vmem>>, %arg10: memref<128x128xf32, #tpu.memory_space<vmem>>, %arg11: memref<10000x128xf32, #tpu.memory_space<vmem_shared>>, %arg12: memref<!tpu.dma_semaphore, #tpu.memory_space<semaphore_mem>>, %arg13: memref<!tpu.dma_semaphore, #tpu.memory_space<semaphore_mem>>, %arg14: memref<!tpu.dma_semaphore, #tpu.memory_space<semaphore_mem>>, %arg15: memref<!tpu.dma_semaphore, #tpu.memory_space<semaphore_mem>>) attributes {dimension_semantics = [#tpu.dimension_semantics<core_parallel>, #tpu.dimension_semantics<subcore_parallel>], iteration_bounds = array<i64: 2, 16>, scalar_prefetch = 0 : i64, scratch_operands = 9 : i64, tpu.core_type = #tpu.core_type<sc_vector_subcore>, window_params = [{transform_indices = #map}, {transform_indices = #map}, {transform_indices = #map}, {transform_indices = #map}, {transform_indices = #map}]} {
    %mul3A = arith.constant 632 : i32
    %mul3A_0 = arith.muli %arg1, %mul3A : i32
    %mul3A_1 = arith.constant 3 : i32
    %mul3A_2 = arith.muli %arg0, %mul3A_1 : i32
    %add3A = arith.constant 0 : i32
    %add3A_3 = arith.addi %mul3A_2, %add3A : i32
    %mul3A_4 = arith.constant 128 : i32
    %mul3A_5 = arith.muli %add3A_3, %mul3A_4 : i32
    %multiple_of3A = tpu.assume_multiple %mul3A_5, 128 : i32
    %mul3A_6 = arith.constant 78 : i32
    %mul3A_7 = arith.muli %arg1, %mul3A_6 : i32
    %add3A_8 = arith.constant 0 : i32
    %add3A_9 = arith.addi %add3A_8, %mul3A_7 : i32
    %rem3A = arith.constant 8 : i32
    %rem3A_10 = arith.remsi %add3A_9, %rem3A : i32
    %sub3A = arith.subi %add3A_9, %rem3A_10 : i32
    %multiple_of3A_11 = tpu.assume_multiple %sub3A, 8 : i32
    "tpu.region"() ({
      %run_scoped3A = tpu.sem_alloc : memref<!tpu.dma_semaphore, #tpu.memory_space<semaphore_mem>>
      %dma_start3A_236 = arith.constant 0 : i32
      %dma_start3A_237 = tpu.memref_slice %arg3[%multiple_of3A_11, %dma_start3A_236] : memref<1312x128xi32, #tpu.memory_space<hbm>> -> memref<88x128xi32, #tpu.memory_space<hbm>>
      %dma_start3A_238 = arith.constant 0 : i32
      %dma_start3A_239 = tpu.memref_slice %arg3[%multiple_of3A_11, %dma_start3A_238] : memref<1312x128xi32, #tpu.memory_space<hbm>> -> memref<88x128xi32, #tpu.memory_space<hbm>>
      tpu.enqueue_dma source(%dma_start3A_239 : memref<88x128xi32, #tpu.memory_space<hbm>>) target(%arg7 : memref<88x128xi32, #tpu.memory_space<vmem>>) target_semaphore(%run_scoped3A : memref<!tpu.dma_semaphore, #tpu.memory_space<semaphore_mem>>)
      %dma_wait3A_240 = arith.constant 0 : i32
      %dma_wait3A_241 = tpu.memref_slice %arg3[%multiple_of3A_11, %dma_wait3A_240] : memref<1312x128xi32, #tpu.memory_space<hbm>> -> memref<88x128xi32, #tpu.memory_space<hbm>>
      %dma_wait3A_242 = arith.constant 0 : i32
      %dma_wait3A_243 = tpu.memref_slice %arg3[%multiple_of3A_11, %dma_wait3A_242] : memref<1312x128xi32, #tpu.memory_space<hbm>> -> memref<88x128xi32, #tpu.memory_space<hbm>>
      tpu.wait_dma2 semaphore(%run_scoped3A : memref<!tpu.dma_semaphore, #tpu.memory_space<semaphore_mem>>) src(%dma_wait3A_243 : memref<88x128xi32, #tpu.memory_space<hbm>>) dst(%arg7 : memref<88x128xi32, #tpu.memory_space<vmem>>)
      tpu.yield
    }) : () -> ()
    %rem3A_12 = arith.constant 1248 : i32
    %rem3A_13 = arith.constant 8 : i32
    %rem3A_14 = arith.remsi %rem3A_12, %rem3A_13 : i32
    %sub3A_15 = arith.constant 1248 : i32
    %sub3A_16 = arith.subi %sub3A_15, %rem3A_14 : i32
    %multiple_of3A_17 = tpu.assume_multiple %sub3A_16, 8 : i32
    %eq3A = arith.constant 0 : i32
    %eq3A_18 = arith.cmpi eq, %arg1, %eq3A : i32
    %convert_element_type3A = arith.extui %eq3A_18 : i1 to i32
    %cond3A = arith.constant 0 : i32
    %cond3A_19 = arith.cmpi ne, %convert_element_type3A, %cond3A : i32
    scf.if %cond3A_19 {
      "tpu.region"() ({
        %run_scoped3A = tpu.sem_alloc : memref<!tpu.dma_semaphore, #tpu.memory_space<semaphore_mem>>
        %dma_start3A_236 = arith.constant 0 : i32
        %dma_start3A_237 = tpu.memref_slice %arg3[%multiple_of3A_17, %dma_start3A_236] : memref<1312x128xi32, #tpu.memory_space<hbm>> -> memref<8x128xi32, #tpu.memory_space<hbm>>
        %dma_start3A_238 = arith.constant 0 : i32
        %dma_start3A_239 = tpu.memref_slice %arg3[%multiple_of3A_17, %dma_start3A_238] : memref<1312x128xi32, #tpu.memory_space<hbm>> -> memref<8x128xi32, #tpu.memory_space<hbm>>
        tpu.enqueue_dma source(%dma_start3A_239 : memref<8x128xi32, #tpu.memory_space<hbm>>) target(%arg8 : memref<8x128xi32, #tpu.memory_space<vmem>>) target_semaphore(%run_scoped3A : memref<!tpu.dma_semaphore, #tpu.memory_space<semaphore_mem>>)
        %dma_wait3A_240 = arith.constant 0 : i32
        %dma_wait3A_241 = tpu.memref_slice %arg3[%multiple_of3A_17, %dma_wait3A_240] : memref<1312x128xi32, #tpu.memory_space<hbm>> -> memref<8x128xi32, #tpu.memory_space<hbm>>
        %dma_wait3A_242 = arith.constant 0 : i32
        %dma_wait3A_243 = tpu.memref_slice %arg3[%multiple_of3A_17, %dma_wait3A_242] : memref<1312x128xi32, #tpu.memory_space<hbm>> -> memref<8x128xi32, #tpu.memory_space<hbm>>
        tpu.wait_dma2 semaphore(%run_scoped3A : memref<!tpu.dma_semaphore, #tpu.memory_space<semaphore_mem>>) src(%dma_wait3A_243 : memref<8x128xi32, #tpu.memory_space<hbm>>) dst(%arg8 : memref<8x128xi32, #tpu.memory_space<vmem>>)
        tpu.yield
      }) : () -> ()
    } else {
    }
    %lt3A = arith.constant 15 : i32
    %lt3A_20 = arith.cmpi slt, %arg1, %lt3A : i32
    %convert_element_type3A_21 = arith.extui %lt3A_20 : i1 to i32
    %cond3A_22 = arith.constant 0 : i32
    %cond3A_23 = arith.cmpi ne, %convert_element_type3A_21, %cond3A_22 : i32
    scf.if %cond3A_23 {
      "tpu.region"() ({
        %run_scoped3A = tpu.sem_alloc : memref<!tpu.dma_semaphore, #tpu.memory_space<semaphore_mem>>
        %dma_start3A_236 = arith.constant 0 : i32
        %dma_start3A_237 = tpu.memref_slice %arg11[%mul3A_0, %dma_start3A_236] : memref<10000x128xf32, #tpu.memory_space<vmem_shared>> -> memref<632x128xf32, #tpu.memory_space<vmem_shared>>
        %dma_start3A_238 = arith.constant 0 : i32
        %dma_start3A_239 = tpu.memref_slice %arg4[%mul3A_0, %dma_start3A_238] : memref<10000x128xf32, #tpu.memory_space<hbm>> -> memref<632x128xf32, #tpu.memory_space<hbm>>
        tpu.enqueue_dma source(%dma_start3A_239 : memref<632x128xf32, #tpu.memory_space<hbm>>) target(%dma_start3A_237 : memref<632x128xf32, #tpu.memory_space<vmem_shared>>) target_semaphore(%run_scoped3A : memref<!tpu.dma_semaphore, #tpu.memory_space<semaphore_mem>>)
        %dma_wait3A_240 = arith.constant 0 : i32
        %dma_wait3A_241 = tpu.memref_slice %arg11[%mul3A_0, %dma_wait3A_240] : memref<10000x128xf32, #tpu.memory_space<vmem_shared>> -> memref<632x128xf32, #tpu.memory_space<vmem_shared>>
        %dma_wait3A_242 = arith.constant 0 : i32
        %dma_wait3A_243 = tpu.memref_slice %arg4[%mul3A_0, %dma_wait3A_242] : memref<10000x128xf32, #tpu.memory_space<hbm>> -> memref<632x128xf32, #tpu.memory_space<hbm>>
        tpu.wait_dma2 semaphore(%run_scoped3A : memref<!tpu.dma_semaphore, #tpu.memory_space<semaphore_mem>>) src(%dma_wait3A_243 : memref<632x128xf32, #tpu.memory_space<hbm>>) dst(%dma_wait3A_241 : memref<632x128xf32, #tpu.memory_space<vmem_shared>>)
        tpu.yield
      }) : () -> ()
    } else {
    }
    %eq3A_24 = arith.constant 15 : i32
    %eq3A_25 = arith.cmpi eq, %arg1, %eq3A_24 : i32
    %convert_element_type3A_26 = arith.extui %eq3A_25 : i1 to i32
    %cond3A_27 = arith.constant 0 : i32
    %cond3A_28 = arith.cmpi ne, %convert_element_type3A_26, %cond3A_27 : i32
    scf.if %cond3A_28 {
      "tpu.region"() ({
        %run_scoped3A = tpu.sem_alloc : memref<!tpu.dma_semaphore, #tpu.memory_space<semaphore_mem>>
        %dma_start3A_236 = arith.constant 0 : i32
        %dma_start3A_237 = tpu.memref_slice %arg11[%mul3A_0, %dma_start3A_236] : memref<10000x128xf32, #tpu.memory_space<vmem_shared>> -> memref<520x128xf32, #tpu.memory_space<vmem_shared>>
        %dma_start3A_238 = arith.constant 0 : i32
        %dma_start3A_239 = tpu.memref_slice %arg4[%mul3A_0, %dma_start3A_238] : memref<10000x128xf32, #tpu.memory_space<hbm>> -> memref<520x128xf32, #tpu.memory_space<hbm>>
        tpu.enqueue_dma source(%dma_start3A_239 : memref<520x128xf32, #tpu.memory_space<hbm>>) target(%dma_start3A_237 : memref<520x128xf32, #tpu.memory_space<vmem_shared>>) target_semaphore(%run_scoped3A : memref<!tpu.dma_semaphore, #tpu.memory_space<semaphore_mem>>)
        %dma_wait3A_240 = arith.constant 0 : i32
        %dma_wait3A_241 = tpu.memref_slice %arg11[%mul3A_0, %dma_wait3A_240] : memref<10000x128xf32, #tpu.memory_space<vmem_shared>> -> memref<520x128xf32, #tpu.memory_space<vmem_shared>>
        %dma_wait3A_242 = arith.constant 0 : i32
        %dma_wait3A_243 = tpu.memref_slice %arg4[%mul3A_0, %dma_wait3A_242] : memref<10000x128xf32, #tpu.memory_space<hbm>> -> memref<520x128xf32, #tpu.memory_space<hbm>>
        tpu.wait_dma2 semaphore(%run_scoped3A : memref<!tpu.dma_semaphore, #tpu.memory_space<semaphore_mem>>) src(%dma_wait3A_243 : memref<520x128xf32, #tpu.memory_space<hbm>>) dst(%dma_wait3A_241 : memref<520x128xf32, #tpu.memory_space<vmem_shared>>)
        tpu.yield
      }) : () -> ()
    } else {
    }
    %barrier3A = arith.constant 0 : index
    tpu.barrier barrier_id(%barrier3A)
    %eq3A_29 = arith.constant 0 : i32
    %eq3A_30 = arith.cmpi eq, %arg1, %eq3A_29 : i32
    %convert_element_type3A_31 = arith.extui %eq3A_30 : i1 to i32
    %cond3A_32 = arith.constant 0 : i32
    %cond3A_33 = arith.cmpi ne, %convert_element_type3A_31, %cond3A_32 : i32
    scf.if %cond3A_33 {
      "tpu.region"() ({
        %run_scoped3A = tpu.sem_alloc : memref<!tpu.dma_semaphore, #tpu.memory_space<semaphore_mem>>
        %dma_start3A_240 = arith.constant 159744 : i32
        %dma_start3A_241 = tpu.memref_slice %arg2[%dma_start3A_240, %multiple_of3A] : memref<160000x640xf32, #tpu.memory_space<hbm>> -> memref<128x128xf32, #tpu.memory_space<hbm>>
        %dma_start3A_242 = arith.constant 159744 : i32
        %dma_start3A_243 = tpu.memref_slice %arg2[%dma_start3A_242, %multiple_of3A] : memref<160000x640xf32, #tpu.memory_space<hbm>> -> memref<128x128xf32, #tpu.memory_space<hbm>>
        tpu.enqueue_dma source(%dma_start3A_243 : memref<128x128xf32, #tpu.memory_space<hbm>>) target(%arg9 : memref<128x128xf32, #tpu.memory_space<vmem>>) target_semaphore(%run_scoped3A : memref<!tpu.dma_semaphore, #tpu.memory_space<semaphore_mem>>)
        %dma_wait3A_244 = arith.constant 159744 : i32
        %dma_wait3A_245 = tpu.memref_slice %arg2[%dma_wait3A_244, %multiple_of3A] : memref<160000x640xf32, #tpu.memory_space<hbm>> -> memref<128x128xf32, #tpu.memory_space<hbm>>
        %dma_wait3A_246 = arith.constant 159744 : i32
        %dma_wait3A_247 = tpu.memref_slice %arg2[%dma_wait3A_246, %multiple_of3A] : memref<160000x640xf32, #tpu.memory_space<hbm>> -> memref<128x128xf32, #tpu.memory_space<hbm>>
        tpu.wait_dma2 semaphore(%run_scoped3A : memref<!tpu.dma_semaphore, #tpu.memory_space<semaphore_mem>>) src(%dma_wait3A_247 : memref<128x128xf32, #tpu.memory_space<hbm>>) dst(%arg9 : memref<128x128xf32, #tpu.memory_space<vmem>>)
        tpu.yield
      }) : () -> ()
      %add3A_236 = arith.constant 0 : i32
      %add3A_237 = arith.addi %rem3A_14, %add3A_236 : i32
      "tpu.region"() ({
        %run_scoped3A = tpu.sem_alloc : memref<!tpu.dma_semaphore, #tpu.memory_space<semaphore_mem>>
        %dma_start3A_240 = arith.constant 0 : i32
        %dma_start3A_241 = tpu.memref_slice %arg8[%add3A_237, %dma_start3A_240] : memref<8x128xi32, #tpu.memory_space<vmem>> -> memref<1x128xi32, #tpu.memory_space<vmem>>
        %dma_start3A_242 = tpu.memref_squeeze %dma_start3A_241 : memref<1x128xi32, #tpu.memory_space<vmem>> -> memref<128xi32, #tpu.memory_space<vmem>>
        %dma_start3A_243 = arith.constant 0 : i32
        %dma_start3A_244 = arith.constant 0 : i32
        %dma_start3A_245 = tpu.memref_slice %arg11[%dma_start3A_243, %dma_start3A_244] : memref<10000x128xf32, #tpu.memory_space<vmem_shared>> -> memref<10000x128xf32, #tpu.memory_space<vmem_shared>>
        tpu.enqueue_indirect_dma source(%arg9 : memref<128x128xf32, #tpu.memory_space<vmem>>) target(%dma_start3A_245 : memref<10000x128xf32, #tpu.memory_space<vmem_shared>>) offsets(%dma_start3A_242 : memref<128xi32, #tpu.memory_space<vmem>>) semaphore(%run_scoped3A : memref<!tpu.dma_semaphore, #tpu.memory_space<semaphore_mem>>) {add = true}
        %dma_wait3A_246 = arith.constant 0 : i32
        %dma_wait3A_247 = tpu.memref_slice %arg8[%add3A_237, %dma_wait3A_246] : memref<8x128xi32, #tpu.memory_space<vmem>> -> memref<1x128xi32, #tpu.memory_space<vmem>>
        %dma_wait3A_248 = tpu.memref_squeeze %dma_wait3A_247 : memref<1x128xi32, #tpu.memory_space<vmem>> -> memref<128xi32, #tpu.memory_space<vmem>>
        %dma_wait3A_249 = arith.constant 0 : i32
        %dma_wait3A_250 = arith.constant 0 : i32
        %dma_wait3A_251 = tpu.memref_slice %arg11[%dma_wait3A_249, %dma_wait3A_250] : memref<10000x128xf32, #tpu.memory_space<vmem_shared>> -> memref<10000x128xf32, #tpu.memory_space<vmem_shared>>
        tpu.wait_indirect_dma semaphore(%run_scoped3A : memref<!tpu.dma_semaphore, #tpu.memory_space<semaphore_mem>>) src(%arg9 : memref<128x128xf32, #tpu.memory_space<vmem>>) dst(%dma_wait3A_251 : memref<10000x128xf32, #tpu.memory_space<vmem_shared>>)
        tpu.yield
      }) : () -> ()
      "tpu.region"() ({
        %run_scoped3A = tpu.sem_alloc : memref<!tpu.dma_semaphore, #tpu.memory_space<semaphore_mem>>
        %dma_start3A_240 = arith.constant 159872 : i32
        %dma_start3A_241 = tpu.memref_slice %arg2[%dma_start3A_240, %multiple_of3A] : memref<160000x640xf32, #tpu.memory_space<hbm>> -> memref<128x128xf32, #tpu.memory_space<hbm>>
        %dma_start3A_242 = arith.constant 159872 : i32
        %dma_start3A_243 = tpu.memref_slice %arg2[%dma_start3A_242, %multiple_of3A] : memref<160000x640xf32, #tpu.memory_space<hbm>> -> memref<128x128xf32, #tpu.memory_space<hbm>>
        tpu.enqueue_dma source(%dma_start3A_243 : memref<128x128xf32, #tpu.memory_space<hbm>>) target(%arg9 : memref<128x128xf32, #tpu.memory_space<vmem>>) target_semaphore(%run_scoped3A : memref<!tpu.dma_semaphore, #tpu.memory_space<semaphore_mem>>)
        %dma_wait3A_244 = arith.constant 159872 : i32
        %dma_wait3A_245 = tpu.memref_slice %arg2[%dma_wait3A_244, %multiple_of3A] : memref<160000x640xf32, #tpu.memory_space<hbm>> -> memref<128x128xf32, #tpu.memory_space<hbm>>
        %dma_wait3A_246 = arith.constant 159872 : i32
        %dma_wait3A_247 = tpu.memref_slice %arg2[%dma_wait3A_246, %multiple_of3A] : memref<160000x640xf32, #tpu.memory_space<hbm>> -> memref<128x128xf32, #tpu.memory_space<hbm>>
        tpu.wait_dma2 semaphore(%run_scoped3A : memref<!tpu.dma_semaphore, #tpu.memory_space<semaphore_mem>>) src(%dma_wait3A_247 : memref<128x128xf32, #tpu.memory_space<hbm>>) dst(%arg9 : memref<128x128xf32, #tpu.memory_space<vmem>>)
        tpu.yield
      }) : () -> ()
      %add3A_238 = arith.constant 1 : i32
      %add3A_239 = arith.addi %rem3A_14, %add3A_238 : i32
      "tpu.region"() ({
        %run_scoped3A = tpu.sem_alloc : memref<!tpu.dma_semaphore, #tpu.memory_space<semaphore_mem>>
        %dma_start3A_240 = arith.constant 0 : i32
        %dma_start3A_241 = tpu.memref_slice %arg8[%add3A_239, %dma_start3A_240] : memref<8x128xi32, #tpu.memory_space<vmem>> -> memref<1x128xi32, #tpu.memory_space<vmem>>
        %dma_start3A_242 = tpu.memref_squeeze %dma_start3A_241 : memref<1x128xi32, #tpu.memory_space<vmem>> -> memref<128xi32, #tpu.memory_space<vmem>>
        %dma_start3A_243 = arith.constant 0 : i32
        %dma_start3A_244 = arith.constant 0 : i32
        %dma_start3A_245 = tpu.memref_slice %arg11[%dma_start3A_243, %dma_start3A_244] : memref<10000x128xf32, #tpu.memory_space<vmem_shared>> -> memref<10000x128xf32, #tpu.memory_space<vmem_shared>>
        tpu.enqueue_indirect_dma source(%arg9 : memref<128x128xf32, #tpu.memory_space<vmem>>) target(%dma_start3A_245 : memref<10000x128xf32, #tpu.memory_space<vmem_shared>>) offsets(%dma_start3A_242 : memref<128xi32, #tpu.memory_space<vmem>>) semaphore(%run_scoped3A : memref<!tpu.dma_semaphore, #tpu.memory_space<semaphore_mem>>) {add = true}
        %dma_wait3A_246 = arith.constant 0 : i32
        %dma_wait3A_247 = tpu.memref_slice %arg8[%add3A_239, %dma_wait3A_246] : memref<8x128xi32, #tpu.memory_space<vmem>> -> memref<1x128xi32, #tpu.memory_space<vmem>>
        %dma_wait3A_248 = tpu.memref_squeeze %dma_wait3A_247 : memref<1x128xi32, #tpu.memory_space<vmem>> -> memref<128xi32, #tpu.memory_space<vmem>>
        %dma_wait3A_249 = arith.constant 0 : i32
        %dma_wait3A_250 = arith.constant 0 : i32
        %dma_wait3A_251 = tpu.memref_slice %arg11[%dma_wait3A_249, %dma_wait3A_250] : memref<10000x128xf32, #tpu.memory_space<vmem_shared>> -> memref<10000x128xf32, #tpu.memory_space<vmem_shared>>
        tpu.wait_indirect_dma semaphore(%run_scoped3A : memref<!tpu.dma_semaphore, #tpu.memory_space<semaphore_mem>>) src(%arg9 : memref<128x128xf32, #tpu.memory_space<vmem>>) dst(%dma_wait3A_251 : memref<10000x128xf32, #tpu.memory_space<vmem_shared>>)
        tpu.yield
      }) : () -> ()
    } else {
    }
    %add3A_34 = arith.constant 0 : i32
    %add3A_35 = arith.addi %add3A_9, %add3A_34 : i32
    %mul3A_36 = arith.constant 128 : i32
    %mul3A_37 = arith.muli %add3A_35, %mul3A_36 : i32
    %dma_start3A = tpu.memref_slice %arg2[%mul3A_37, %multiple_of3A] : memref<160000x640xf32, #tpu.memory_space<hbm>> -> memref<128x128xf32, #tpu.memory_space<hbm>>
    %dma_start3A_38 = tpu.memref_slice %arg2[%mul3A_37, %multiple_of3A] : memref<160000x640xf32, #tpu.memory_space<hbm>> -> memref<128x128xf32, #tpu.memory_space<hbm>>
    tpu.enqueue_dma source(%dma_start3A_38 : memref<128x128xf32, #tpu.memory_space<hbm>>) target(%arg9 : memref<128x128xf32, #tpu.memory_space<vmem>>) target_semaphore(%arg12 : memref<!tpu.dma_semaphore, #tpu.memory_space<semaphore_mem>>)
    %scan3A = arith.constant 0 : i32
    %scan3A_39 = arith.constant 39 : i32
    %scan3A_40 = arith.addi %scan3A, %scan3A_39 : i32
    %scan3A_41 = arith.constant 1 : i32
    scf.for %scan3A_236 = %scan3A to %scan3A_40 step %scan3A_41  : i32 {
      %mul3A_237 = arith.constant 2 : i32
      %mul3A_238 = arith.muli %mul3A_237, %scan3A_236 : i32
      %dma_wait3A_239 = arith.constant 0 : i32
      %dma_wait3A_240 = tpu.memref_slice %arg2[%dma_wait3A_239, %multiple_of3A] : memref<160000x640xf32, #tpu.memory_space<hbm>> -> memref<128x128xf32, #tpu.memory_space<hbm>>
      %dma_wait3A_241 = arith.constant 0 : i32
      %dma_wait3A_242 = tpu.memref_slice %arg2[%dma_wait3A_241, %multiple_of3A] : memref<160000x640xf32, #tpu.memory_space<hbm>> -> memref<128x128xf32, #tpu.memory_space<hbm>>
      tpu.wait_dma2 semaphore(%arg12 : memref<!tpu.dma_semaphore, #tpu.memory_space<semaphore_mem>>) src(%dma_wait3A_242 : memref<128x128xf32, #tpu.memory_space<hbm>>) dst(%arg9 : memref<128x128xf32, #tpu.memory_space<vmem>>)
      %add3A_243 = arith.addi %mul3A_238, %rem3A_10 : i32
      %dma_start3A_244 = arith.constant 0 : i32
      %dma_start3A_245 = tpu.memref_slice %arg7[%add3A_243, %dma_start3A_244] : memref<88x128xi32, #tpu.memory_space<vmem>> -> memref<1x128xi32, #tpu.memory_space<vmem>>
      %dma_start3A_246 = tpu.memref_squeeze %dma_start3A_245 : memref<1x128xi32, #tpu.memory_space<vmem>> -> memref<128xi32, #tpu.memory_space<vmem>>
      %dma_start3A_247 = arith.constant 0 : i32
      %dma_start3A_248 = arith.constant 0 : i32
      %dma_start3A_249 = tpu.memref_slice %arg11[%dma_start3A_247, %dma_start3A_248] : memref<10000x128xf32, #tpu.memory_space<vmem_shared>> -> memref<10000x128xf32, #tpu.memory_space<vmem_shared>>
      tpu.enqueue_indirect_dma source(%arg9 : memref<128x128xf32, #tpu.memory_space<vmem>>) target(%dma_start3A_249 : memref<10000x128xf32, #tpu.memory_space<vmem_shared>>) offsets(%dma_start3A_246 : memref<128xi32, #tpu.memory_space<vmem>>) semaphore(%arg14 : memref<!tpu.dma_semaphore, #tpu.memory_space<semaphore_mem>>) {add = true}
      %gt3A = arith.constant 0 : i32
      %gt3A_250 = arith.cmpi sgt, %scan3A_236, %gt3A : i32
      %convert_element_type3A_251 = arith.extui %gt3A_250 : i1 to i32
      %cond3A_252 = arith.constant 0 : i32
      %cond3A_253 = arith.cmpi ne, %convert_element_type3A_251, %cond3A_252 : i32
      scf.if %cond3A_253 {
        %sub3A_286 = arith.constant 1 : i32
        %sub3A_287 = arith.subi %mul3A_238, %sub3A_286 : i32
        %add3A_288 = arith.addi %sub3A_287, %rem3A_10 : i32
        %dma_wait3A_289 = arith.constant 0 : i32
        %dma_wait3A_290 = tpu.memref_slice %arg7[%add3A_288, %dma_wait3A_289] : memref<88x128xi32, #tpu.memory_space<vmem>> -> memref<1x128xi32, #tpu.memory_space<vmem>>
        %dma_wait3A_291 = tpu.memref_squeeze %dma_wait3A_290 : memref<1x128xi32, #tpu.memory_space<vmem>> -> memref<128xi32, #tpu.memory_space<vmem>>
        %dma_wait3A_292 = arith.constant 0 : i32
        %dma_wait3A_293 = arith.constant 0 : i32
        %dma_wait3A_294 = tpu.memref_slice %arg11[%dma_wait3A_292, %dma_wait3A_293] : memref<10000x128xf32, #tpu.memory_space<vmem_shared>> -> memref<10000x128xf32, #tpu.memory_space<vmem_shared>>
        tpu.wait_indirect_dma semaphore(%arg15 : memref<!tpu.dma_semaphore, #tpu.memory_space<semaphore_mem>>) src(%arg10 : memref<128x128xf32, #tpu.memory_space<vmem>>) dst(%dma_wait3A_294 : memref<10000x128xf32, #tpu.memory_space<vmem_shared>>)
      } else {
      }
      %add3A_254 = arith.constant 1 : i32
      %add3A_255 = arith.addi %mul3A_238, %add3A_254 : i32
      %add3A_256 = arith.addi %add3A_9, %add3A_255 : i32
      %mul3A_257 = arith.constant 128 : i32
      %mul3A_258 = arith.muli %add3A_256, %mul3A_257 : i32
      %dma_start3A_259 = tpu.memref_slice %arg2[%mul3A_258, %multiple_of3A] : memref<160000x640xf32, #tpu.memory_space<hbm>> -> memref<128x128xf32, #tpu.memory_space<hbm>>
      %dma_start3A_260 = tpu.memref_slice %arg2[%mul3A_258, %multiple_of3A] : memref<160000x640xf32, #tpu.memory_space<hbm>> -> memref<128x128xf32, #tpu.memory_space<hbm>>
      tpu.enqueue_dma source(%dma_start3A_260 : memref<128x128xf32, #tpu.memory_space<hbm>>) target(%arg10 : memref<128x128xf32, #tpu.memory_space<vmem>>) target_semaphore(%arg13 : memref<!tpu.dma_semaphore, #tpu.memory_space<semaphore_mem>>)
      %dma_wait3A_261 = arith.constant 0 : i32
      %dma_wait3A_262 = tpu.memref_slice %arg2[%dma_wait3A_261, %multiple_of3A] : memref<160000x640xf32, #tpu.memory_space<hbm>> -> memref<128x128xf32, #tpu.memory_space<hbm>>
      %dma_wait3A_263 = arith.constant 0 : i32
      %dma_wait3A_264 = tpu.memref_slice %arg2[%dma_wait3A_263, %multiple_of3A] : memref<160000x640xf32, #tpu.memory_space<hbm>> -> memref<128x128xf32, #tpu.memory_space<hbm>>
      tpu.wait_dma2 semaphore(%arg13 : memref<!tpu.dma_semaphore, #tpu.memory_space<semaphore_mem>>) src(%dma_wait3A_264 : memref<128x128xf32, #tpu.memory_space<hbm>>) dst(%arg10 : memref<128x128xf32, #tpu.memory_space<vmem>>)
      %add3A_265 = arith.constant 1 : i32
      %add3A_266 = arith.addi %mul3A_238, %add3A_265 : i32
      %add3A_267 = arith.addi %add3A_266, %rem3A_10 : i32
      %dma_start3A_268 = arith.constant 0 : i32
      %dma_start3A_269 = tpu.memref_slice %arg7[%add3A_267, %dma_start3A_268] : memref<88x128xi32, #tpu.memory_space<vmem>> -> memref<1x128xi32, #tpu.memory_space<vmem>>
      %dma_start3A_270 = tpu.memref_squeeze %dma_start3A_269 : memref<1x128xi32, #tpu.memory_space<vmem>> -> memref<128xi32, #tpu.memory_space<vmem>>
      %dma_start3A_271 = arith.constant 0 : i32
      %dma_start3A_272 = arith.constant 0 : i32
      %dma_start3A_273 = tpu.memref_slice %arg11[%dma_start3A_271, %dma_start3A_272] : memref<10000x128xf32, #tpu.memory_space<vmem_shared>> -> memref<10000x128xf32, #tpu.memory_space<vmem_shared>>
      tpu.enqueue_indirect_dma source(%arg10 : memref<128x128xf32, #tpu.memory_space<vmem>>) target(%dma_start3A_273 : memref<10000x128xf32, #tpu.memory_space<vmem_shared>>) offsets(%dma_start3A_270 : memref<128xi32, #tpu.memory_space<vmem>>) semaphore(%arg15 : memref<!tpu.dma_semaphore, #tpu.memory_space<semaphore_mem>>) {add = true}
      %add3A_274 = arith.addi %mul3A_238, %rem3A_10 : i32
      %dma_wait3A_275 = arith.constant 0 : i32
      %dma_wait3A_276 = tpu.memref_slice %arg7[%add3A_274, %dma_wait3A_275] : memref<88x128xi32, #tpu.memory_space<vmem>> -> memref<1x128xi32, #tpu.memory_space<vmem>>
      %dma_wait3A_277 = tpu.memref_squeeze %dma_wait3A_276 : memref<1x128xi32, #tpu.memory_space<vmem>> -> memref<128xi32, #tpu.memory_space<vmem>>
      %dma_wait3A_278 = arith.constant 0 : i32
      %dma_wait3A_279 = arith.constant 0 : i32
      %dma_wait3A_280 = tpu.memref_slice %arg11[%dma_wait3A_278, %dma_wait3A_279] : memref<10000x128xf32, #tpu.memory_space<vmem_shared>> -> memref<10000x128xf32, #tpu.memory_space<vmem_shared>>
      tpu.wait_indirect_dma semaphore(%arg14 : memref<!tpu.dma_semaphore, #tpu.memory_space<semaphore_mem>>) src(%arg9 : memref<128x128xf32, #tpu.memory_space<vmem>>) dst(%dma_wait3A_280 : memref<10000x128xf32, #tpu.memory_space<vmem_shared>>)
      %lt3A_281 = arith.constant 38 : i32
      %lt3A_282 = arith.cmpi slt, %scan3A_236, %lt3A_281 : i32
      %convert_element_type3A_283 = arith.extui %lt3A_282 : i1 to i32
      %cond3A_284 = arith.constant 0 : i32
      %cond3A_285 = arith.cmpi ne, %convert_element_type3A_283, %cond3A_284 : i32
      scf.if %cond3A_285 {
        %add3A_286 = arith.constant 2 : i32
        %add3A_287 = arith.addi %mul3A_238, %add3A_286 : i32
        %add3A_288 = arith.addi %add3A_9, %add3A_287 : i32
        %mul3A_289 = arith.constant 128 : i32
        %mul3A_290 = arith.muli %add3A_288, %mul3A_289 : i32
        %dma_start3A_291 = tpu.memref_slice %arg2[%mul3A_290, %multiple_of3A] : memref<160000x640xf32, #tpu.memory_space<hbm>> -> memref<128x128xf32, #tpu.memory_space<hbm>>
        %dma_start3A_292 = tpu.memref_slice %arg2[%mul3A_290, %multiple_of3A] : memref<160000x640xf32, #tpu.memory_space<hbm>> -> memref<128x128xf32, #tpu.memory_space<hbm>>
        tpu.enqueue_dma source(%dma_start3A_292 : memref<128x128xf32, #tpu.memory_space<hbm>>) target(%arg9 : memref<128x128xf32, #tpu.memory_space<vmem>>) target_semaphore(%arg12 : memref<!tpu.dma_semaphore, #tpu.memory_space<semaphore_mem>>)
      } else {
      }
    }
    %scan3A_42 = arith.constant 39 : i32
    %add3A_43 = arith.constant 77 : i32
    %add3A_44 = arith.addi %add3A_43, %rem3A_10 : i32
    %dma_wait3A = arith.constant 0 : i32
    %dma_wait3A_45 = tpu.memref_slice %arg7[%add3A_44, %dma_wait3A] : memref<88x128xi32, #tpu.memory_space<vmem>> -> memref<1x128xi32, #tpu.memory_space<vmem>>
    %dma_wait3A_46 = tpu.memref_squeeze %dma_wait3A_45 : memref<1x128xi32, #tpu.memory_space<vmem>> -> memref<128xi32, #tpu.memory_space<vmem>>
    %dma_wait3A_47 = arith.constant 0 : i32
    %dma_wait3A_48 = arith.constant 0 : i32
    %dma_wait3A_49 = tpu.memref_slice %arg11[%dma_wait3A_47, %dma_wait3A_48] : memref<10000x128xf32, #tpu.memory_space<vmem_shared>> -> memref<10000x128xf32, #tpu.memory_space<vmem_shared>>
    tpu.wait_indirect_dma semaphore(%arg15 : memref<!tpu.dma_semaphore, #tpu.memory_space<semaphore_mem>>) src(%arg10 : memref<128x128xf32, #tpu.memory_space<vmem>>) dst(%dma_wait3A_49 : memref<10000x128xf32, #tpu.memory_space<vmem_shared>>)
    %barrier3A_50 = arith.constant 0 : index
    tpu.barrier barrier_id(%barrier3A_50)
    %lt3A_51 = arith.constant 15 : i32
    %lt3A_52 = arith.cmpi slt, %arg1, %lt3A_51 : i32
    %convert_element_type3A_53 = arith.extui %lt3A_52 : i1 to i32
    %cond3A_54 = arith.constant 0 : i32
    %cond3A_55 = arith.cmpi ne, %convert_element_type3A_53, %cond3A_54 : i32
    scf.if %cond3A_55 {
      "tpu.region"() ({
        %run_scoped3A = tpu.sem_alloc : memref<!tpu.dma_semaphore, #tpu.memory_space<semaphore_mem>>
        %dma_start3A_236 = tpu.memref_slice %arg5[%mul3A_0, %multiple_of3A] : memref<10000x640xf32, #tpu.memory_space<hbm>> -> memref<632x128xf32, #tpu.memory_space<hbm>>
        %dma_start3A_237 = arith.constant 0 : i32
        %dma_start3A_238 = tpu.memref_slice %arg11[%mul3A_0, %dma_start3A_237] : memref<10000x128xf32, #tpu.memory_space<vmem_shared>> -> memref<632x128xf32, #tpu.memory_space<vmem_shared>>
        tpu.enqueue_dma source(%dma_start3A_238 : memref<632x128xf32, #tpu.memory_space<vmem_shared>>) target(%dma_start3A_236 : memref<632x128xf32, #tpu.memory_space<hbm>>) target_semaphore(%run_scoped3A : memref<!tpu.dma_semaphore, #tpu.memory_space<semaphore_mem>>)
        %dma_wait3A_239 = tpu.memref_slice %arg5[%mul3A_0, %multiple_of3A] : memref<10000x640xf32, #tpu.memory_space<hbm>> -> memref<632x128xf32, #tpu.memory_space<hbm>>
        %dma_wait3A_240 = arith.constant 0 : i32
        %dma_wait3A_241 = tpu.memref_slice %arg11[%mul3A_0, %dma_wait3A_240] : memref<10000x128xf32, #tpu.memory_space<vmem_shared>> -> memref<632x128xf32, #tpu.memory_space<vmem_shared>>
        tpu.wait_dma2 semaphore(%run_scoped3A : memref<!tpu.dma_semaphore, #tpu.memory_space<semaphore_mem>>) src(%dma_wait3A_241 : memref<632x128xf32, #tpu.memory_space<vmem_shared>>) dst(%dma_wait3A_239 : memref<632x128xf32, #tpu.memory_space<hbm>>)
        tpu.yield
      }) : () -> ()
    } else {
    }
    %eq3A_56 = arith.constant 15 : i32
    %eq3A_57 = arith.cmpi eq, %arg1, %eq3A_56 : i32
    %convert_element_type3A_58 = arith.extui %eq3A_57 : i1 to i32
    %cond3A_59 = arith.constant 0 : i32
    %cond3A_60 = arith.cmpi ne, %convert_element_type3A_58, %cond3A_59 : i32
    scf.if %cond3A_60 {
      "tpu.region"() ({
        %run_scoped3A = tpu.sem_alloc : memref<!tpu.dma_semaphore, #tpu.memory_space<semaphore_mem>>
        %dma_start3A_236 = tpu.memref_slice %arg5[%mul3A_0, %multiple_of3A] : memref<10000x640xf32, #tpu.memory_space<hbm>> -> memref<520x128xf32, #tpu.memory_space<hbm>>
        %dma_start3A_237 = arith.constant 0 : i32
        %dma_start3A_238 = tpu.memref_slice %arg11[%mul3A_0, %dma_start3A_237] : memref<10000x128xf32, #tpu.memory_space<vmem_shared>> -> memref<520x128xf32, #tpu.memory_space<vmem_shared>>
        tpu.enqueue_dma source(%dma_start3A_238 : memref<520x128xf32, #tpu.memory_space<vmem_shared>>) target(%dma_start3A_236 : memref<520x128xf32, #tpu.memory_space<hbm>>) target_semaphore(%run_scoped3A : memref<!tpu.dma_semaphore, #tpu.memory_space<semaphore_mem>>)
        %dma_wait3A_239 = tpu.memref_slice %arg5[%mul3A_0, %multiple_of3A] : memref<10000x640xf32, #tpu.memory_space<hbm>> -> memref<520x128xf32, #tpu.memory_space<hbm>>
        %dma_wait3A_240 = arith.constant 0 : i32
        %dma_wait3A_241 = tpu.memref_slice %arg11[%mul3A_0, %dma_wait3A_240] : memref<10000x128xf32, #tpu.memory_space<vmem_shared>> -> memref<520x128xf32, #tpu.memory_space<vmem_shared>>
        tpu.wait_dma2 semaphore(%run_scoped3A : memref<!tpu.dma_semaphore, #tpu.memory_space<semaphore_mem>>) src(%dma_wait3A_241 : memref<520x128xf32, #tpu.memory_space<vmem_shared>>) dst(%dma_wait3A_239 : memref<520x128xf32, #tpu.memory_space<hbm>>)
        tpu.yield
      }) : () -> ()
    } else {
    }
    %barrier3A_61 = arith.constant 0 : index
    tpu.barrier barrier_id(%barrier3A_61)
    %mul3A_62 = arith.constant 3 : i32
    %mul3A_63 = arith.muli %arg0, %mul3A_62 : i32
    %add3A_64 = arith.constant 1 : i32
    %add3A_65 = arith.addi %mul3A_63, %add3A_64 : i32
    %mul3A_66 = arith.constant 128 : i32
    %mul3A_67 = arith.muli %add3A_65, %mul3A_66 : i32
    %multiple_of3A_68 = tpu.assume_multiple %mul3A_67, 128 : i32
    %mul3A_69 = arith.constant 78 : i32
    %mul3A_70 = arith.muli %arg1, %mul3A_69 : i32
    %add3A_71 = arith.constant 0 : i32
    %add3A_72 = arith.addi %add3A_71, %mul3A_70 : i32
    %rem3A_73 = arith.constant 8 : i32
    %rem3A_74 = arith.remsi %add3A_72, %rem3A_73 : i32
    %sub3A_75 = arith.subi %add3A_72, %rem3A_74 : i32
    %multiple_of3A_76 = tpu.assume_multiple %sub3A_75, 8 : i32
    "tpu.region"() ({
      %run_scoped3A = tpu.sem_alloc : memref<!tpu.dma_semaphore, #tpu.memory_space<semaphore_mem>>
      %dma_start3A_236 = arith.constant 0 : i32
      %dma_start3A_237 = tpu.memref_slice %arg3[%multiple_of3A_76, %dma_start3A_236] : memref<1312x128xi32, #tpu.memory_space<hbm>> -> memref<88x128xi32, #tpu.memory_space<hbm>>
      %dma_start3A_238 = arith.constant 0 : i32
      %dma_start3A_239 = tpu.memref_slice %arg3[%multiple_of3A_76, %dma_start3A_238] : memref<1312x128xi32, #tpu.memory_space<hbm>> -> memref<88x128xi32, #tpu.memory_space<hbm>>
      tpu.enqueue_dma source(%dma_start3A_239 : memref<88x128xi32, #tpu.memory_space<hbm>>) target(%arg7 : memref<88x128xi32, #tpu.memory_space<vmem>>) target_semaphore(%run_scoped3A : memref<!tpu.dma_semaphore, #tpu.memory_space<semaphore_mem>>)
      %dma_wait3A_240 = arith.constant 0 : i32
      %dma_wait3A_241 = tpu.memref_slice %arg3[%multiple_of3A_76, %dma_wait3A_240] : memref<1312x128xi32, #tpu.memory_space<hbm>> -> memref<88x128xi32, #tpu.memory_space<hbm>>
      %dma_wait3A_242 = arith.constant 0 : i32
      %dma_wait3A_243 = tpu.memref_slice %arg3[%multiple_of3A_76, %dma_wait3A_242] : memref<1312x128xi32, #tpu.memory_space<hbm>> -> memref<88x128xi32, #tpu.memory_space<hbm>>
      tpu.wait_dma2 semaphore(%run_scoped3A : memref<!tpu.dma_semaphore, #tpu.memory_space<semaphore_mem>>) src(%dma_wait3A_243 : memref<88x128xi32, #tpu.memory_space<hbm>>) dst(%arg7 : memref<88x128xi32, #tpu.memory_space<vmem>>)
      tpu.yield
    }) : () -> ()
    %rem3A_77 = arith.constant 1248 : i32
    %rem3A_78 = arith.constant 8 : i32
    %rem3A_79 = arith.remsi %rem3A_77, %rem3A_78 : i32
    %sub3A_80 = arith.constant 1248 : i32
    %sub3A_81 = arith.subi %sub3A_80, %rem3A_79 : i32
    %multiple_of3A_82 = tpu.assume_multiple %sub3A_81, 8 : i32
    %eq3A_83 = arith.constant 0 : i32
    %eq3A_84 = arith.cmpi eq, %arg1, %eq3A_83 : i32
    %convert_element_type3A_85 = arith.extui %eq3A_84 : i1 to i32
    %cond3A_86 = arith.constant 0 : i32
    %cond3A_87 = arith.cmpi ne, %convert_element_type3A_85, %cond3A_86 : i32
    scf.if %cond3A_87 {
      "tpu.region"() ({
        %run_scoped3A = tpu.sem_alloc : memref<!tpu.dma_semaphore, #tpu.memory_space<semaphore_mem>>
        %dma_start3A_236 = arith.constant 0 : i32
        %dma_start3A_237 = tpu.memref_slice %arg3[%multiple_of3A_82, %dma_start3A_236] : memref<1312x128xi32, #tpu.memory_space<hbm>> -> memref<8x128xi32, #tpu.memory_space<hbm>>
        %dma_start3A_238 = arith.constant 0 : i32
        %dma_start3A_239 = tpu.memref_slice %arg3[%multiple_of3A_82, %dma_start3A_238] : memref<1312x128xi32, #tpu.memory_space<hbm>> -> memref<8x128xi32, #tpu.memory_space<hbm>>
        tpu.enqueue_dma source(%dma_start3A_239 : memref<8x128xi32, #tpu.memory_space<hbm>>) target(%arg8 : memref<8x128xi32, #tpu.memory_space<vmem>>) target_semaphore(%run_scoped3A : memref<!tpu.dma_semaphore, #tpu.memory_space<semaphore_mem>>)
        %dma_wait3A_240 = arith.constant 0 : i32
        %dma_wait3A_241 = tpu.memref_slice %arg3[%multiple_of3A_82, %dma_wait3A_240] : memref<1312x128xi32, #tpu.memory_space<hbm>> -> memref<8x128xi32, #tpu.memory_space<hbm>>
        %dma_wait3A_242 = arith.constant 0 : i32
        %dma_wait3A_243 = tpu.memref_slice %arg3[%multiple_of3A_82, %dma_wait3A_242] : memref<1312x128xi32, #tpu.memory_space<hbm>> -> memref<8x128xi32, #tpu.memory_space<hbm>>
        tpu.wait_dma2 semaphore(%run_scoped3A : memref<!tpu.dma_semaphore, #tpu.memory_space<semaphore_mem>>) src(%dma_wait3A_243 : memref<8x128xi32, #tpu.memory_space<hbm>>) dst(%arg8 : memref<8x128xi32, #tpu.memory_space<vmem>>)
        tpu.yield
      }) : () -> ()
    } else {
    }
    %lt3A_88 = arith.constant 15 : i32
    %lt3A_89 = arith.cmpi slt, %arg1, %lt3A_88 : i32
    %convert_element_type3A_90 = arith.extui %lt3A_89 : i1 to i32
    %cond3A_91 = arith.constant 0 : i32
    %cond3A_92 = arith.cmpi ne, %convert_element_type3A_90, %cond3A_91 : i32
    scf.if %cond3A_92 {
      "tpu.region"() ({
        %run_scoped3A = tpu.sem_alloc : memref<!tpu.dma_semaphore, #tpu.memory_space<semaphore_mem>>
        %dma_start3A_236 = arith.constant 0 : i32
        %dma_start3A_237 = tpu.memref_slice %arg11[%mul3A_0, %dma_start3A_236] : memref<10000x128xf32, #tpu.memory_space<vmem_shared>> -> memref<632x128xf32, #tpu.memory_space<vmem_shared>>
        %dma_start3A_238 = arith.constant 0 : i32
        %dma_start3A_239 = tpu.memref_slice %arg4[%mul3A_0, %dma_start3A_238] : memref<10000x128xf32, #tpu.memory_space<hbm>> -> memref<632x128xf32, #tpu.memory_space<hbm>>
        tpu.enqueue_dma source(%dma_start3A_239 : memref<632x128xf32, #tpu.memory_space<hbm>>) target(%dma_start3A_237 : memref<632x128xf32, #tpu.memory_space<vmem_shared>>) target_semaphore(%run_scoped3A : memref<!tpu.dma_semaphore, #tpu.memory_space<semaphore_mem>>)
        %dma_wait3A_240 = arith.constant 0 : i32
        %dma_wait3A_241 = tpu.memref_slice %arg11[%mul3A_0, %dma_wait3A_240] : memref<10000x128xf32, #tpu.memory_space<vmem_shared>> -> memref<632x128xf32, #tpu.memory_space<vmem_shared>>
        %dma_wait3A_242 = arith.constant 0 : i32
        %dma_wait3A_243 = tpu.memref_slice %arg4[%mul3A_0, %dma_wait3A_242] : memref<10000x128xf32, #tpu.memory_space<hbm>> -> memref<632x128xf32, #tpu.memory_space<hbm>>
        tpu.wait_dma2 semaphore(%run_scoped3A : memref<!tpu.dma_semaphore, #tpu.memory_space<semaphore_mem>>) src(%dma_wait3A_243 : memref<632x128xf32, #tpu.memory_space<hbm>>) dst(%dma_wait3A_241 : memref<632x128xf32, #tpu.memory_space<vmem_shared>>)
        tpu.yield
      }) : () -> ()
    } else {
    }
    %eq3A_93 = arith.constant 15 : i32
    %eq3A_94 = arith.cmpi eq, %arg1, %eq3A_93 : i32
    %convert_element_type3A_95 = arith.extui %eq3A_94 : i1 to i32
    %cond3A_96 = arith.constant 0 : i32
    %cond3A_97 = arith.cmpi ne, %convert_element_type3A_95, %cond3A_96 : i32
    scf.if %cond3A_97 {
      "tpu.region"() ({
        %run_scoped3A = tpu.sem_alloc : memref<!tpu.dma_semaphore, #tpu.memory_space<semaphore_mem>>
        %dma_start3A_236 = arith.constant 0 : i32
        %dma_start3A_237 = tpu.memref_slice %arg11[%mul3A_0, %dma_start3A_236] : memref<10000x128xf32, #tpu.memory_space<vmem_shared>> -> memref<520x128xf32, #tpu.memory_space<vmem_shared>>
        %dma_start3A_238 = arith.constant 0 : i32
        %dma_start3A_239 = tpu.memref_slice %arg4[%mul3A_0, %dma_start3A_238] : memref<10000x128xf32, #tpu.memory_space<hbm>> -> memref<520x128xf32, #tpu.memory_space<hbm>>
        tpu.enqueue_dma source(%dma_start3A_239 : memref<520x128xf32, #tpu.memory_space<hbm>>) target(%dma_start3A_237 : memref<520x128xf32, #tpu.memory_space<vmem_shared>>) target_semaphore(%run_scoped3A : memref<!tpu.dma_semaphore, #tpu.memory_space<semaphore_mem>>)
        %dma_wait3A_240 = arith.constant 0 : i32
        %dma_wait3A_241 = tpu.memref_slice %arg11[%mul3A_0, %dma_wait3A_240] : memref<10000x128xf32, #tpu.memory_space<vmem_shared>> -> memref<520x128xf32, #tpu.memory_space<vmem_shared>>
        %dma_wait3A_242 = arith.constant 0 : i32
        %dma_wait3A_243 = tpu.memref_slice %arg4[%mul3A_0, %dma_wait3A_242] : memref<10000x128xf32, #tpu.memory_space<hbm>> -> memref<520x128xf32, #tpu.memory_space<hbm>>
        tpu.wait_dma2 semaphore(%run_scoped3A : memref<!tpu.dma_semaphore, #tpu.memory_space<semaphore_mem>>) src(%dma_wait3A_243 : memref<520x128xf32, #tpu.memory_space<hbm>>) dst(%dma_wait3A_241 : memref<520x128xf32, #tpu.memory_space<vmem_shared>>)
        tpu.yield
      }) : () -> ()
    } else {
    }
    %barrier3A_98 = arith.constant 0 : index
    tpu.barrier barrier_id(%barrier3A_98)
    %eq3A_99 = arith.constant 0 : i32
    %eq3A_100 = arith.cmpi eq, %arg1, %eq3A_99 : i32
    %convert_element_type3A_101 = arith.extui %eq3A_100 : i1 to i32
    %cond3A_102 = arith.constant 0 : i32
    %cond3A_103 = arith.cmpi ne, %convert_element_type3A_101, %cond3A_102 : i32
    scf.if %cond3A_103 {
      "tpu.region"() ({
        %run_scoped3A = tpu.sem_alloc : memref<!tpu.dma_semaphore, #tpu.memory_space<semaphore_mem>>
        %dma_start3A_240 = arith.constant 159744 : i32
        %dma_start3A_241 = tpu.memref_slice %arg2[%dma_start3A_240, %multiple_of3A_68] : memref<160000x640xf32, #tpu.memory_space<hbm>> -> memref<128x128xf32, #tpu.memory_space<hbm>>
        %dma_start3A_242 = arith.constant 159744 : i32
        %dma_start3A_243 = tpu.memref_slice %arg2[%dma_start3A_242, %multiple_of3A_68] : memref<160000x640xf32, #tpu.memory_space<hbm>> -> memref<128x128xf32, #tpu.memory_space<hbm>>
        tpu.enqueue_dma source(%dma_start3A_243 : memref<128x128xf32, #tpu.memory_space<hbm>>) target(%arg9 : memref<128x128xf32, #tpu.memory_space<vmem>>) target_semaphore(%run_scoped3A : memref<!tpu.dma_semaphore, #tpu.memory_space<semaphore_mem>>)
        %dma_wait3A_244 = arith.constant 159744 : i32
        %dma_wait3A_245 = tpu.memref_slice %arg2[%dma_wait3A_244, %multiple_of3A_68] : memref<160000x640xf32, #tpu.memory_space<hbm>> -> memref<128x128xf32, #tpu.memory_space<hbm>>
        %dma_wait3A_246 = arith.constant 159744 : i32
        %dma_wait3A_247 = tpu.memref_slice %arg2[%dma_wait3A_246, %multiple_of3A_68] : memref<160000x640xf32, #tpu.memory_space<hbm>> -> memref<128x128xf32, #tpu.memory_space<hbm>>
        tpu.wait_dma2 semaphore(%run_scoped3A : memref<!tpu.dma_semaphore, #tpu.memory_space<semaphore_mem>>) src(%dma_wait3A_247 : memref<128x128xf32, #tpu.memory_space<hbm>>) dst(%arg9 : memref<128x128xf32, #tpu.memory_space<vmem>>)
        tpu.yield
      }) : () -> ()
      %add3A_236 = arith.constant 0 : i32
      %add3A_237 = arith.addi %rem3A_79, %add3A_236 : i32
      "tpu.region"() ({
        %run_scoped3A = tpu.sem_alloc : memref<!tpu.dma_semaphore, #tpu.memory_space<semaphore_mem>>
        %dma_start3A_240 = arith.constant 0 : i32
        %dma_start3A_241 = tpu.memref_slice %arg8[%add3A_237, %dma_start3A_240] : memref<8x128xi32, #tpu.memory_space<vmem>> -> memref<1x128xi32, #tpu.memory_space<vmem>>
        %dma_start3A_242 = tpu.memref_squeeze %dma_start3A_241 : memref<1x128xi32, #tpu.memory_space<vmem>> -> memref<128xi32, #tpu.memory_space<vmem>>
        %dma_start3A_243 = arith.constant 0 : i32
        %dma_start3A_244 = arith.constant 0 : i32
        %dma_start3A_245 = tpu.memref_slice %arg11[%dma_start3A_243, %dma_start3A_244] : memref<10000x128xf32, #tpu.memory_space<vmem_shared>> -> memref<10000x128xf32, #tpu.memory_space<vmem_shared>>
        tpu.enqueue_indirect_dma source(%arg9 : memref<128x128xf32, #tpu.memory_space<vmem>>) target(%dma_start3A_245 : memref<10000x128xf32, #tpu.memory_space<vmem_shared>>) offsets(%dma_start3A_242 : memref<128xi32, #tpu.memory_space<vmem>>) semaphore(%run_scoped3A : memref<!tpu.dma_semaphore, #tpu.memory_space<semaphore_mem>>) {add = true}
        %dma_wait3A_246 = arith.constant 0 : i32
        %dma_wait3A_247 = tpu.memref_slice %arg8[%add3A_237, %dma_wait3A_246] : memref<8x128xi32, #tpu.memory_space<vmem>> -> memref<1x128xi32, #tpu.memory_space<vmem>>
        %dma_wait3A_248 = tpu.memref_squeeze %dma_wait3A_247 : memref<1x128xi32, #tpu.memory_space<vmem>> -> memref<128xi32, #tpu.memory_space<vmem>>
        %dma_wait3A_249 = arith.constant 0 : i32
        %dma_wait3A_250 = arith.constant 0 : i32
        %dma_wait3A_251 = tpu.memref_slice %arg11[%dma_wait3A_249, %dma_wait3A_250] : memref<10000x128xf32, #tpu.memory_space<vmem_shared>> -> memref<10000x128xf32, #tpu.memory_space<vmem_shared>>
        tpu.wait_indirect_dma semaphore(%run_scoped3A : memref<!tpu.dma_semaphore, #tpu.memory_space<semaphore_mem>>) src(%arg9 : memref<128x128xf32, #tpu.memory_space<vmem>>) dst(%dma_wait3A_251 : memref<10000x128xf32, #tpu.memory_space<vmem_shared>>)
        tpu.yield
      }) : () -> ()
      "tpu.region"() ({
        %run_scoped3A = tpu.sem_alloc : memref<!tpu.dma_semaphore, #tpu.memory_space<semaphore_mem>>
        %dma_start3A_240 = arith.constant 159872 : i32
        %dma_start3A_241 = tpu.memref_slice %arg2[%dma_start3A_240, %multiple_of3A_68] : memref<160000x640xf32, #tpu.memory_space<hbm>> -> memref<128x128xf32, #tpu.memory_space<hbm>>
        %dma_start3A_242 = arith.constant 159872 : i32
        %dma_start3A_243 = tpu.memref_slice %arg2[%dma_start3A_242, %multiple_of3A_68] : memref<160000x640xf32, #tpu.memory_space<hbm>> -> memref<128x128xf32, #tpu.memory_space<hbm>>
        tpu.enqueue_dma source(%dma_start3A_243 : memref<128x128xf32, #tpu.memory_space<hbm>>) target(%arg9 : memref<128x128xf32, #tpu.memory_space<vmem>>) target_semaphore(%run_scoped3A : memref<!tpu.dma_semaphore, #tpu.memory_space<semaphore_mem>>)
        %dma_wait3A_244 = arith.constant 159872 : i32
        %dma_wait3A_245 = tpu.memref_slice %arg2[%dma_wait3A_244, %multiple_of3A_68] : memref<160000x640xf32, #tpu.memory_space<hbm>> -> memref<128x128xf32, #tpu.memory_space<hbm>>
        %dma_wait3A_246 = arith.constant 159872 : i32
        %dma_wait3A_247 = tpu.memref_slice %arg2[%dma_wait3A_246, %multiple_of3A_68] : memref<160000x640xf32, #tpu.memory_space<hbm>> -> memref<128x128xf32, #tpu.memory_space<hbm>>
        tpu.wait_dma2 semaphore(%run_scoped3A : memref<!tpu.dma_semaphore, #tpu.memory_space<semaphore_mem>>) src(%dma_wait3A_247 : memref<128x128xf32, #tpu.memory_space<hbm>>) dst(%arg9 : memref<128x128xf32, #tpu.memory_space<vmem>>)
        tpu.yield
      }) : () -> ()
      %add3A_238 = arith.constant 1 : i32
      %add3A_239 = arith.addi %rem3A_79, %add3A_238 : i32
      "tpu.region"() ({
        %run_scoped3A = tpu.sem_alloc : memref<!tpu.dma_semaphore, #tpu.memory_space<semaphore_mem>>
        %dma_start3A_240 = arith.constant 0 : i32
        %dma_start3A_241 = tpu.memref_slice %arg8[%add3A_239, %dma_start3A_240] : memref<8x128xi32, #tpu.memory_space<vmem>> -> memref<1x128xi32, #tpu.memory_space<vmem>>
        %dma_start3A_242 = tpu.memref_squeeze %dma_start3A_241 : memref<1x128xi32, #tpu.memory_space<vmem>> -> memref<128xi32, #tpu.memory_space<vmem>>
        %dma_start3A_243 = arith.constant 0 : i32
        %dma_start3A_244 = arith.constant 0 : i32
        %dma_start3A_245 = tpu.memref_slice %arg11[%dma_start3A_243, %dma_start3A_244] : memref<10000x128xf32, #tpu.memory_space<vmem_shared>> -> memref<10000x128xf32, #tpu.memory_space<vmem_shared>>
        tpu.enqueue_indirect_dma source(%arg9 : memref<128x128xf32, #tpu.memory_space<vmem>>) target(%dma_start3A_245 : memref<10000x128xf32, #tpu.memory_space<vmem_shared>>) offsets(%dma_start3A_242 : memref<128xi32, #tpu.memory_space<vmem>>) semaphore(%run_scoped3A : memref<!tpu.dma_semaphore, #tpu.memory_space<semaphore_mem>>) {add = true}
        %dma_wait3A_246 = arith.constant 0 : i32
        %dma_wait3A_247 = tpu.memref_slice %arg8[%add3A_239, %dma_wait3A_246] : memref<8x128xi32, #tpu.memory_space<vmem>> -> memref<1x128xi32, #tpu.memory_space<vmem>>
        %dma_wait3A_248 = tpu.memref_squeeze %dma_wait3A_247 : memref<1x128xi32, #tpu.memory_space<vmem>> -> memref<128xi32, #tpu.memory_space<vmem>>
        %dma_wait3A_249 = arith.constant 0 : i32
        %dma_wait3A_250 = arith.constant 0 : i32
        %dma_wait3A_251 = tpu.memref_slice %arg11[%dma_wait3A_249, %dma_wait3A_250] : memref<10000x128xf32, #tpu.memory_space<vmem_shared>> -> memref<10000x128xf32, #tpu.memory_space<vmem_shared>>
        tpu.wait_indirect_dma semaphore(%run_scoped3A : memref<!tpu.dma_semaphore, #tpu.memory_space<semaphore_mem>>) src(%arg9 : memref<128x128xf32, #tpu.memory_space<vmem>>) dst(%dma_wait3A_251 : memref<10000x128xf32, #tpu.memory_space<vmem_shared>>)
        tpu.yield
      }) : () -> ()
    } else {
    }
    %add3A_104 = arith.constant 0 : i32
    %add3A_105 = arith.addi %add3A_72, %add3A_104 : i32
    %mul3A_106 = arith.constant 128 : i32
    %mul3A_107 = arith.muli %add3A_105, %mul3A_106 : i32
    %dma_start3A_108 = tpu.memref_slice %arg2[%mul3A_107, %multiple_of3A_68] : memref<160000x640xf32, #tpu.memory_space<hbm>> -> memref<128x128xf32, #tpu.memory_space<hbm>>
    %dma_start3A_109 = tpu.memref_slice %arg2[%mul3A_107, %multiple_of3A_68] : memref<160000x640xf32, #tpu.memory_space<hbm>> -> memref<128x128xf32, #tpu.memory_space<hbm>>
    tpu.enqueue_dma source(%dma_start3A_109 : memref<128x128xf32, #tpu.memory_space<hbm>>) target(%arg9 : memref<128x128xf32, #tpu.memory_space<vmem>>) target_semaphore(%arg12 : memref<!tpu.dma_semaphore, #tpu.memory_space<semaphore_mem>>)
    %scan3A_110 = arith.constant 0 : i32
    %scan3A_111 = arith.constant 39 : i32
    %scan3A_112 = arith.addi %scan3A_110, %scan3A_111 : i32
    %scan3A_113 = arith.constant 1 : i32
    scf.for %scan3A_236 = %scan3A_110 to %scan3A_112 step %scan3A_113  : i32 {
      %mul3A_237 = arith.constant 2 : i32
      %mul3A_238 = arith.muli %mul3A_237, %scan3A_236 : i32
      %dma_wait3A_239 = arith.constant 0 : i32
      %dma_wait3A_240 = tpu.memref_slice %arg2[%dma_wait3A_239, %multiple_of3A_68] : memref<160000x640xf32, #tpu.memory_space<hbm>> -> memref<128x128xf32, #tpu.memory_space<hbm>>
      %dma_wait3A_241 = arith.constant 0 : i32
      %dma_wait3A_242 = tpu.memref_slice %arg2[%dma_wait3A_241, %multiple_of3A_68] : memref<160000x640xf32, #tpu.memory_space<hbm>> -> memref<128x128xf32, #tpu.memory_space<hbm>>
      tpu.wait_dma2 semaphore(%arg12 : memref<!tpu.dma_semaphore, #tpu.memory_space<semaphore_mem>>) src(%dma_wait3A_242 : memref<128x128xf32, #tpu.memory_space<hbm>>) dst(%arg9 : memref<128x128xf32, #tpu.memory_space<vmem>>)
      %add3A_243 = arith.addi %mul3A_238, %rem3A_74 : i32
      %dma_start3A_244 = arith.constant 0 : i32
      %dma_start3A_245 = tpu.memref_slice %arg7[%add3A_243, %dma_start3A_244] : memref<88x128xi32, #tpu.memory_space<vmem>> -> memref<1x128xi32, #tpu.memory_space<vmem>>
      %dma_start3A_246 = tpu.memref_squeeze %dma_start3A_245 : memref<1x128xi32, #tpu.memory_space<vmem>> -> memref<128xi32, #tpu.memory_space<vmem>>
      %dma_start3A_247 = arith.constant 0 : i32
      %dma_start3A_248 = arith.constant 0 : i32
      %dma_start3A_249 = tpu.memref_slice %arg11[%dma_start3A_247, %dma_start3A_248] : memref<10000x128xf32, #tpu.memory_space<vmem_shared>> -> memref<10000x128xf32, #tpu.memory_space<vmem_shared>>
      tpu.enqueue_indirect_dma source(%arg9 : memref<128x128xf32, #tpu.memory_space<vmem>>) target(%dma_start3A_249 : memref<10000x128xf32, #tpu.memory_space<vmem_shared>>) offsets(%dma_start3A_246 : memref<128xi32, #tpu.memory_space<vmem>>) semaphore(%arg14 : memref<!tpu.dma_semaphore, #tpu.memory_space<semaphore_mem>>) {add = true}
      %gt3A = arith.constant 0 : i32
      %gt3A_250 = arith.cmpi sgt, %scan3A_236, %gt3A : i32
      %convert_element_type3A_251 = arith.extui %gt3A_250 : i1 to i32
      %cond3A_252 = arith.constant 0 : i32
      %cond3A_253 = arith.cmpi ne, %convert_element_type3A_251, %cond3A_252 : i32
      scf.if %cond3A_253 {
        %sub3A_286 = arith.constant 1 : i32
        %sub3A_287 = arith.subi %mul3A_238, %sub3A_286 : i32
        %add3A_288 = arith.addi %sub3A_287, %rem3A_74 : i32
        %dma_wait3A_289 = arith.constant 0 : i32
        %dma_wait3A_290 = tpu.memref_slice %arg7[%add3A_288, %dma_wait3A_289] : memref<88x128xi32, #tpu.memory_space<vmem>> -> memref<1x128xi32, #tpu.memory_space<vmem>>
        %dma_wait3A_291 = tpu.memref_squeeze %dma_wait3A_290 : memref<1x128xi32, #tpu.memory_space<vmem>> -> memref<128xi32, #tpu.memory_space<vmem>>
        %dma_wait3A_292 = arith.constant 0 : i32
        %dma_wait3A_293 = arith.constant 0 : i32
        %dma_wait3A_294 = tpu.memref_slice %arg11[%dma_wait3A_292, %dma_wait3A_293] : memref<10000x128xf32, #tpu.memory_space<vmem_shared>> -> memref<10000x128xf32, #tpu.memory_space<vmem_shared>>
        tpu.wait_indirect_dma semaphore(%arg15 : memref<!tpu.dma_semaphore, #tpu.memory_space<semaphore_mem>>) src(%arg10 : memref<128x128xf32, #tpu.memory_space<vmem>>) dst(%dma_wait3A_294 : memref<10000x128xf32, #tpu.memory_space<vmem_shared>>)
      } else {
      }
      %add3A_254 = arith.constant 1 : i32
      %add3A_255 = arith.addi %mul3A_238, %add3A_254 : i32
      %add3A_256 = arith.addi %add3A_72, %add3A_255 : i32
      %mul3A_257 = arith.constant 128 : i32
      %mul3A_258 = arith.muli %add3A_256, %mul3A_257 : i32
      %dma_start3A_259 = tpu.memref_slice %arg2[%mul3A_258, %multiple_of3A_68] : memref<160000x640xf32, #tpu.memory_space<hbm>> -> memref<128x128xf32, #tpu.memory_space<hbm>>
      %dma_start3A_260 = tpu.memref_slice %arg2[%mul3A_258, %multiple_of3A_68] : memref<160000x640xf32, #tpu.memory_space<hbm>> -> memref<128x128xf32, #tpu.memory_space<hbm>>
      tpu.enqueue_dma source(%dma_start3A_260 : memref<128x128xf32, #tpu.memory_space<hbm>>) target(%arg10 : memref<128x128xf32, #tpu.memory_space<vmem>>) target_semaphore(%arg13 : memref<!tpu.dma_semaphore, #tpu.memory_space<semaphore_mem>>)
      %dma_wait3A_261 = arith.constant 0 : i32
      %dma_wait3A_262 = tpu.memref_slice %arg2[%dma_wait3A_261, %multiple_of3A_68] : memref<160000x640xf32, #tpu.memory_space<hbm>> -> memref<128x128xf32, #tpu.memory_space<hbm>>
      %dma_wait3A_263 = arith.constant 0 : i32
      %dma_wait3A_264 = tpu.memref_slice %arg2[%dma_wait3A_263, %multiple_of3A_68] : memref<160000x640xf32, #tpu.memory_space<hbm>> -> memref<128x128xf32, #tpu.memory_space<hbm>>
      tpu.wait_dma2 semaphore(%arg13 : memref<!tpu.dma_semaphore, #tpu.memory_space<semaphore_mem>>) src(%dma_wait3A_264 : memref<128x128xf32, #tpu.memory_space<hbm>>) dst(%arg10 : memref<128x128xf32, #tpu.memory_space<vmem>>)
      %add3A_265 = arith.constant 1 : i32
      %add3A_266 = arith.addi %mul3A_238, %add3A_265 : i32
      %add3A_267 = arith.addi %add3A_266, %rem3A_74 : i32
      %dma_start3A_268 = arith.constant 0 : i32
      %dma_start3A_269 = tpu.memref_slice %arg7[%add3A_267, %dma_start3A_268] : memref<88x128xi32, #tpu.memory_space<vmem>> -> memref<1x128xi32, #tpu.memory_space<vmem>>
      %dma_start3A_270 = tpu.memref_squeeze %dma_start3A_269 : memref<1x128xi32, #tpu.memory_space<vmem>> -> memref<128xi32, #tpu.memory_space<vmem>>
      %dma_start3A_271 = arith.constant 0 : i32
      %dma_start3A_272 = arith.constant 0 : i32
      %dma_start3A_273 = tpu.memref_slice %arg11[%dma_start3A_271, %dma_start3A_272] : memref<10000x128xf32, #tpu.memory_space<vmem_shared>> -> memref<10000x128xf32, #tpu.memory_space<vmem_shared>>
      tpu.enqueue_indirect_dma source(%arg10 : memref<128x128xf32, #tpu.memory_space<vmem>>) target(%dma_start3A_273 : memref<10000x128xf32, #tpu.memory_space<vmem_shared>>) offsets(%dma_start3A_270 : memref<128xi32, #tpu.memory_space<vmem>>) semaphore(%arg15 : memref<!tpu.dma_semaphore, #tpu.memory_space<semaphore_mem>>) {add = true}
      %add3A_274 = arith.addi %mul3A_238, %rem3A_74 : i32
      %dma_wait3A_275 = arith.constant 0 : i32
      %dma_wait3A_276 = tpu.memref_slice %arg7[%add3A_274, %dma_wait3A_275] : memref<88x128xi32, #tpu.memory_space<vmem>> -> memref<1x128xi32, #tpu.memory_space<vmem>>
      %dma_wait3A_277 = tpu.memref_squeeze %dma_wait3A_276 : memref<1x128xi32, #tpu.memory_space<vmem>> -> memref<128xi32, #tpu.memory_space<vmem>>
      %dma_wait3A_278 = arith.constant 0 : i32
      %dma_wait3A_279 = arith.constant 0 : i32
      %dma_wait3A_280 = tpu.memref_slice %arg11[%dma_wait3A_278, %dma_wait3A_279] : memref<10000x128xf32, #tpu.memory_space<vmem_shared>> -> memref<10000x128xf32, #tpu.memory_space<vmem_shared>>
      tpu.wait_indirect_dma semaphore(%arg14 : memref<!tpu.dma_semaphore, #tpu.memory_space<semaphore_mem>>) src(%arg9 : memref<128x128xf32, #tpu.memory_space<vmem>>) dst(%dma_wait3A_280 : memref<10000x128xf32, #tpu.memory_space<vmem_shared>>)
      %lt3A_281 = arith.constant 38 : i32
      %lt3A_282 = arith.cmpi slt, %scan3A_236, %lt3A_281 : i32
      %convert_element_type3A_283 = arith.extui %lt3A_282 : i1 to i32
      %cond3A_284 = arith.constant 0 : i32
      %cond3A_285 = arith.cmpi ne, %convert_element_type3A_283, %cond3A_284 : i32
      scf.if %cond3A_285 {
        %add3A_286 = arith.constant 2 : i32
        %add3A_287 = arith.addi %mul3A_238, %add3A_286 : i32
        %add3A_288 = arith.addi %add3A_72, %add3A_287 : i32
        %mul3A_289 = arith.constant 128 : i32
        %mul3A_290 = arith.muli %add3A_288, %mul3A_289 : i32
        %dma_start3A_291 = tpu.memref_slice %arg2[%mul3A_290, %multiple_of3A_68] : memref<160000x640xf32, #tpu.memory_space<hbm>> -> memref<128x128xf32, #tpu.memory_space<hbm>>
        %dma_start3A_292 = tpu.memref_slice %arg2[%mul3A_290, %multiple_of3A_68] : memref<160000x640xf32, #tpu.memory_space<hbm>> -> memref<128x128xf32, #tpu.memory_space<hbm>>
        tpu.enqueue_dma source(%dma_start3A_292 : memref<128x128xf32, #tpu.memory_space<hbm>>) target(%arg9 : memref<128x128xf32, #tpu.memory_space<vmem>>) target_semaphore(%arg12 : memref<!tpu.dma_semaphore, #tpu.memory_space<semaphore_mem>>)
      } else {
      }
    }
    %scan3A_114 = arith.constant 39 : i32
    %add3A_115 = arith.constant 77 : i32
    %add3A_116 = arith.addi %add3A_115, %rem3A_74 : i32
    %dma_wait3A_117 = arith.constant 0 : i32
    %dma_wait3A_118 = tpu.memref_slice %arg7[%add3A_116, %dma_wait3A_117] : memref<88x128xi32, #tpu.memory_space<vmem>> -> memref<1x128xi32, #tpu.memory_space<vmem>>
    %dma_wait3A_119 = tpu.memref_squeeze %dma_wait3A_118 : memref<1x128xi32, #tpu.memory_space<vmem>> -> memref<128xi32, #tpu.memory_space<vmem>>
    %dma_wait3A_120 = arith.constant 0 : i32
    %dma_wait3A_121 = arith.constant 0 : i32
    %dma_wait3A_122 = tpu.memref_slice %arg11[%dma_wait3A_120, %dma_wait3A_121] : memref<10000x128xf32, #tpu.memory_space<vmem_shared>> -> memref<10000x128xf32, #tpu.memory_space<vmem_shared>>
    tpu.wait_indirect_dma semaphore(%arg15 : memref<!tpu.dma_semaphore, #tpu.memory_space<semaphore_mem>>) src(%arg10 : memref<128x128xf32, #tpu.memory_space<vmem>>) dst(%dma_wait3A_122 : memref<10000x128xf32, #tpu.memory_space<vmem_shared>>)
    %barrier3A_123 = arith.constant 0 : index
    tpu.barrier barrier_id(%barrier3A_123)
    %lt3A_124 = arith.constant 15 : i32
    %lt3A_125 = arith.cmpi slt, %arg1, %lt3A_124 : i32
    %convert_element_type3A_126 = arith.extui %lt3A_125 : i1 to i32
    %cond3A_127 = arith.constant 0 : i32
    %cond3A_128 = arith.cmpi ne, %convert_element_type3A_126, %cond3A_127 : i32
    scf.if %cond3A_128 {
      "tpu.region"() ({
        %run_scoped3A = tpu.sem_alloc : memref<!tpu.dma_semaphore, #tpu.memory_space<semaphore_mem>>
        %dma_start3A_236 = tpu.memref_slice %arg5[%mul3A_0, %multiple_of3A_68] : memref<10000x640xf32, #tpu.memory_space<hbm>> -> memref<632x128xf32, #tpu.memory_space<hbm>>
        %dma_start3A_237 = arith.constant 0 : i32
        %dma_start3A_238 = tpu.memref_slice %arg11[%mul3A_0, %dma_start3A_237] : memref<10000x128xf32, #tpu.memory_space<vmem_shared>> -> memref<632x128xf32, #tpu.memory_space<vmem_shared>>
        tpu.enqueue_dma source(%dma_start3A_238 : memref<632x128xf32, #tpu.memory_space<vmem_shared>>) target(%dma_start3A_236 : memref<632x128xf32, #tpu.memory_space<hbm>>) target_semaphore(%run_scoped3A : memref<!tpu.dma_semaphore, #tpu.memory_space<semaphore_mem>>)
        %dma_wait3A_239 = tpu.memref_slice %arg5[%mul3A_0, %multiple_of3A_68] : memref<10000x640xf32, #tpu.memory_space<hbm>> -> memref<632x128xf32, #tpu.memory_space<hbm>>
        %dma_wait3A_240 = arith.constant 0 : i32
        %dma_wait3A_241 = tpu.memref_slice %arg11[%mul3A_0, %dma_wait3A_240] : memref<10000x128xf32, #tpu.memory_space<vmem_shared>> -> memref<632x128xf32, #tpu.memory_space<vmem_shared>>
        tpu.wait_dma2 semaphore(%run_scoped3A : memref<!tpu.dma_semaphore, #tpu.memory_space<semaphore_mem>>) src(%dma_wait3A_241 : memref<632x128xf32, #tpu.memory_space<vmem_shared>>) dst(%dma_wait3A_239 : memref<632x128xf32, #tpu.memory_space<hbm>>)
        tpu.yield
      }) : () -> ()
    } else {
    }
    %eq3A_129 = arith.constant 15 : i32
    %eq3A_130 = arith.cmpi eq, %arg1, %eq3A_129 : i32
    %convert_element_type3A_131 = arith.extui %eq3A_130 : i1 to i32
    %cond3A_132 = arith.constant 0 : i32
    %cond3A_133 = arith.cmpi ne, %convert_element_type3A_131, %cond3A_132 : i32
    scf.if %cond3A_133 {
      "tpu.region"() ({
        %run_scoped3A = tpu.sem_alloc : memref<!tpu.dma_semaphore, #tpu.memory_space<semaphore_mem>>
        %dma_start3A_236 = tpu.memref_slice %arg5[%mul3A_0, %multiple_of3A_68] : memref<10000x640xf32, #tpu.memory_space<hbm>> -> memref<520x128xf32, #tpu.memory_space<hbm>>
        %dma_start3A_237 = arith.constant 0 : i32
        %dma_start3A_238 = tpu.memref_slice %arg11[%mul3A_0, %dma_start3A_237] : memref<10000x128xf32, #tpu.memory_space<vmem_shared>> -> memref<520x128xf32, #tpu.memory_space<vmem_shared>>
        tpu.enqueue_dma source(%dma_start3A_238 : memref<520x128xf32, #tpu.memory_space<vmem_shared>>) target(%dma_start3A_236 : memref<520x128xf32, #tpu.memory_space<hbm>>) target_semaphore(%run_scoped3A : memref<!tpu.dma_semaphore, #tpu.memory_space<semaphore_mem>>)
        %dma_wait3A_239 = tpu.memref_slice %arg5[%mul3A_0, %multiple_of3A_68] : memref<10000x640xf32, #tpu.memory_space<hbm>> -> memref<520x128xf32, #tpu.memory_space<hbm>>
        %dma_wait3A_240 = arith.constant 0 : i32
        %dma_wait3A_241 = tpu.memref_slice %arg11[%mul3A_0, %dma_wait3A_240] : memref<10000x128xf32, #tpu.memory_space<vmem_shared>> -> memref<520x128xf32, #tpu.memory_space<vmem_shared>>
        tpu.wait_dma2 semaphore(%run_scoped3A : memref<!tpu.dma_semaphore, #tpu.memory_space<semaphore_mem>>) src(%dma_wait3A_241 : memref<520x128xf32, #tpu.memory_space<vmem_shared>>) dst(%dma_wait3A_239 : memref<520x128xf32, #tpu.memory_space<hbm>>)
        tpu.yield
      }) : () -> ()
    } else {
    }
    %barrier3A_134 = arith.constant 0 : index
    tpu.barrier barrier_id(%barrier3A_134)
    %mul3A_135 = arith.constant 0 : i32
    %mul3A_136 = arith.muli %arg0, %mul3A_135 : i32
    %add3A_137 = arith.constant 2 : i32
    %add3A_138 = arith.addi %mul3A_136, %add3A_137 : i32
    %mul3A_139 = arith.constant 625 : i32
    %mul3A_140 = arith.muli %arg0, %mul3A_139 : i32
    %add3A_141 = arith.constant 624 : i32
    %add3A_142 = arith.addi %mul3A_140, %add3A_141 : i32
    %mul3A_143 = arith.constant 128 : i32
    %mul3A_144 = arith.muli %add3A_138, %mul3A_143 : i32
    %multiple_of3A_145 = tpu.assume_multiple %mul3A_144, 128 : i32
    %mul3A_146 = arith.constant 39 : i32
    %mul3A_147 = arith.muli %arg1, %mul3A_146 : i32
    %add3A_148 = arith.addi %mul3A_140, %mul3A_147 : i32
    %rem3A_149 = arith.constant 8 : i32
    %rem3A_150 = arith.remsi %add3A_148, %rem3A_149 : i32
    %sub3A_151 = arith.subi %add3A_148, %rem3A_150 : i32
    %multiple_of3A_152 = tpu.assume_multiple %sub3A_151, 8 : i32
    "tpu.region"() ({
      %run_scoped3A = tpu.sem_alloc : memref<!tpu.dma_semaphore, #tpu.memory_space<semaphore_mem>>
      %dma_start3A_236 = arith.constant 0 : i32
      %dma_start3A_237 = tpu.memref_slice %arg3[%multiple_of3A_152, %dma_start3A_236] : memref<1312x128xi32, #tpu.memory_space<hbm>> -> memref<88x128xi32, #tpu.memory_space<hbm>>
      %dma_start3A_238 = arith.constant 0 : i32
      %dma_start3A_239 = tpu.memref_slice %arg3[%multiple_of3A_152, %dma_start3A_238] : memref<1312x128xi32, #tpu.memory_space<hbm>> -> memref<88x128xi32, #tpu.memory_space<hbm>>
      tpu.enqueue_dma source(%dma_start3A_239 : memref<88x128xi32, #tpu.memory_space<hbm>>) target(%arg7 : memref<88x128xi32, #tpu.memory_space<vmem>>) target_semaphore(%run_scoped3A : memref<!tpu.dma_semaphore, #tpu.memory_space<semaphore_mem>>)
      %dma_wait3A_240 = arith.constant 0 : i32
      %dma_wait3A_241 = tpu.memref_slice %arg3[%multiple_of3A_152, %dma_wait3A_240] : memref<1312x128xi32, #tpu.memory_space<hbm>> -> memref<88x128xi32, #tpu.memory_space<hbm>>
      %dma_wait3A_242 = arith.constant 0 : i32
      %dma_wait3A_243 = tpu.memref_slice %arg3[%multiple_of3A_152, %dma_wait3A_242] : memref<1312x128xi32, #tpu.memory_space<hbm>> -> memref<88x128xi32, #tpu.memory_space<hbm>>
      tpu.wait_dma2 semaphore(%run_scoped3A : memref<!tpu.dma_semaphore, #tpu.memory_space<semaphore_mem>>) src(%dma_wait3A_243 : memref<88x128xi32, #tpu.memory_space<hbm>>) dst(%arg7 : memref<88x128xi32, #tpu.memory_space<vmem>>)
      tpu.yield
    }) : () -> ()
    %rem3A_153 = arith.constant 8 : i32
    %rem3A_154 = arith.remsi %add3A_142, %rem3A_153 : i32
    %sub3A_155 = arith.subi %add3A_142, %rem3A_154 : i32
    %multiple_of3A_156 = tpu.assume_multiple %sub3A_155, 8 : i32
    %eq3A_157 = arith.constant 0 : i32
    %eq3A_158 = arith.cmpi eq, %arg1, %eq3A_157 : i32
    %convert_element_type3A_159 = arith.extui %eq3A_158 : i1 to i32
    %cond3A_160 = arith.constant 0 : i32
    %cond3A_161 = arith.cmpi ne, %convert_element_type3A_159, %cond3A_160 : i32
    scf.if %cond3A_161 {
      "tpu.region"() ({
        %run_scoped3A = tpu.sem_alloc : memref<!tpu.dma_semaphore, #tpu.memory_space<semaphore_mem>>
        %dma_start3A_236 = arith.constant 0 : i32
        %dma_start3A_237 = tpu.memref_slice %arg3[%multiple_of3A_156, %dma_start3A_236] : memref<1312x128xi32, #tpu.memory_space<hbm>> -> memref<8x128xi32, #tpu.memory_space<hbm>>
        %dma_start3A_238 = arith.constant 0 : i32
        %dma_start3A_239 = tpu.memref_slice %arg3[%multiple_of3A_156, %dma_start3A_238] : memref<1312x128xi32, #tpu.memory_space<hbm>> -> memref<8x128xi32, #tpu.memory_space<hbm>>
        tpu.enqueue_dma source(%dma_start3A_239 : memref<8x128xi32, #tpu.memory_space<hbm>>) target(%arg8 : memref<8x128xi32, #tpu.memory_space<vmem>>) target_semaphore(%run_scoped3A : memref<!tpu.dma_semaphore, #tpu.memory_space<semaphore_mem>>)
        %dma_wait3A_240 = arith.constant 0 : i32
        %dma_wait3A_241 = tpu.memref_slice %arg3[%multiple_of3A_156, %dma_wait3A_240] : memref<1312x128xi32, #tpu.memory_space<hbm>> -> memref<8x128xi32, #tpu.memory_space<hbm>>
        %dma_wait3A_242 = arith.constant 0 : i32
        %dma_wait3A_243 = tpu.memref_slice %arg3[%multiple_of3A_156, %dma_wait3A_242] : memref<1312x128xi32, #tpu.memory_space<hbm>> -> memref<8x128xi32, #tpu.memory_space<hbm>>
        tpu.wait_dma2 semaphore(%run_scoped3A : memref<!tpu.dma_semaphore, #tpu.memory_space<semaphore_mem>>) src(%dma_wait3A_243 : memref<8x128xi32, #tpu.memory_space<hbm>>) dst(%arg8 : memref<8x128xi32, #tpu.memory_space<vmem>>)
        tpu.yield
      }) : () -> ()
    } else {
    }
    %lt3A_162 = arith.constant 15 : i32
    %lt3A_163 = arith.cmpi slt, %arg1, %lt3A_162 : i32
    %convert_element_type3A_164 = arith.extui %lt3A_163 : i1 to i32
    %cond3A_165 = arith.constant 0 : i32
    %cond3A_166 = arith.cmpi ne, %convert_element_type3A_164, %cond3A_165 : i32
    scf.if %cond3A_166 {
      "tpu.region"() ({
        %run_scoped3A = tpu.sem_alloc : memref<!tpu.dma_semaphore, #tpu.memory_space<semaphore_mem>>
        %dma_start3A_236 = arith.constant 0 : i32
        %dma_start3A_237 = tpu.memref_slice %arg11[%mul3A_0, %dma_start3A_236] : memref<10000x128xf32, #tpu.memory_space<vmem_shared>> -> memref<632x128xf32, #tpu.memory_space<vmem_shared>>
        %dma_start3A_238 = arith.constant 0 : i32
        %dma_start3A_239 = tpu.memref_slice %arg4[%mul3A_0, %dma_start3A_238] : memref<10000x128xf32, #tpu.memory_space<hbm>> -> memref<632x128xf32, #tpu.memory_space<hbm>>
        tpu.enqueue_dma source(%dma_start3A_239 : memref<632x128xf32, #tpu.memory_space<hbm>>) target(%dma_start3A_237 : memref<632x128xf32, #tpu.memory_space<vmem_shared>>) target_semaphore(%run_scoped3A : memref<!tpu.dma_semaphore, #tpu.memory_space<semaphore_mem>>)
        %dma_wait3A_240 = arith.constant 0 : i32
        %dma_wait3A_241 = tpu.memref_slice %arg11[%mul3A_0, %dma_wait3A_240] : memref<10000x128xf32, #tpu.memory_space<vmem_shared>> -> memref<632x128xf32, #tpu.memory_space<vmem_shared>>
        %dma_wait3A_242 = arith.constant 0 : i32
        %dma_wait3A_243 = tpu.memref_slice %arg4[%mul3A_0, %dma_wait3A_242] : memref<10000x128xf32, #tpu.memory_space<hbm>> -> memref<632x128xf32, #tpu.memory_space<hbm>>
        tpu.wait_dma2 semaphore(%run_scoped3A : memref<!tpu.dma_semaphore, #tpu.memory_space<semaphore_mem>>) src(%dma_wait3A_243 : memref<632x128xf32, #tpu.memory_space<hbm>>) dst(%dma_wait3A_241 : memref<632x128xf32, #tpu.memory_space<vmem_shared>>)
        tpu.yield
      }) : () -> ()
    } else {
    }
    %eq3A_167 = arith.constant 15 : i32
    %eq3A_168 = arith.cmpi eq, %arg1, %eq3A_167 : i32
    %convert_element_type3A_169 = arith.extui %eq3A_168 : i1 to i32
    %cond3A_170 = arith.constant 0 : i32
    %cond3A_171 = arith.cmpi ne, %convert_element_type3A_169, %cond3A_170 : i32
    scf.if %cond3A_171 {
      "tpu.region"() ({
        %run_scoped3A = tpu.sem_alloc : memref<!tpu.dma_semaphore, #tpu.memory_space<semaphore_mem>>
        %dma_start3A_236 = arith.constant 0 : i32
        %dma_start3A_237 = tpu.memref_slice %arg11[%mul3A_0, %dma_start3A_236] : memref<10000x128xf32, #tpu.memory_space<vmem_shared>> -> memref<520x128xf32, #tpu.memory_space<vmem_shared>>
        %dma_start3A_238 = arith.constant 0 : i32
        %dma_start3A_239 = tpu.memref_slice %arg4[%mul3A_0, %dma_start3A_238] : memref<10000x128xf32, #tpu.memory_space<hbm>> -> memref<520x128xf32, #tpu.memory_space<hbm>>
        tpu.enqueue_dma source(%dma_start3A_239 : memref<520x128xf32, #tpu.memory_space<hbm>>) target(%dma_start3A_237 : memref<520x128xf32, #tpu.memory_space<vmem_shared>>) target_semaphore(%run_scoped3A : memref<!tpu.dma_semaphore, #tpu.memory_space<semaphore_mem>>)
        %dma_wait3A_240 = arith.constant 0 : i32
        %dma_wait3A_241 = tpu.memref_slice %arg11[%mul3A_0, %dma_wait3A_240] : memref<10000x128xf32, #tpu.memory_space<vmem_shared>> -> memref<520x128xf32, #tpu.memory_space<vmem_shared>>
        %dma_wait3A_242 = arith.constant 0 : i32
        %dma_wait3A_243 = tpu.memref_slice %arg4[%mul3A_0, %dma_wait3A_242] : memref<10000x128xf32, #tpu.memory_space<hbm>> -> memref<520x128xf32, #tpu.memory_space<hbm>>
        tpu.wait_dma2 semaphore(%run_scoped3A : memref<!tpu.dma_semaphore, #tpu.memory_space<semaphore_mem>>) src(%dma_wait3A_243 : memref<520x128xf32, #tpu.memory_space<hbm>>) dst(%dma_wait3A_241 : memref<520x128xf32, #tpu.memory_space<vmem_shared>>)
        tpu.yield
      }) : () -> ()
    } else {
    }
    %barrier3A_172 = arith.constant 0 : index
    tpu.barrier barrier_id(%barrier3A_172)
    %eq3A_173 = arith.constant 0 : i32
    %eq3A_174 = arith.cmpi eq, %arg1, %eq3A_173 : i32
    %convert_element_type3A_175 = arith.extui %eq3A_174 : i1 to i32
    %cond3A_176 = arith.constant 0 : i32
    %cond3A_177 = arith.cmpi ne, %convert_element_type3A_175, %cond3A_176 : i32
    scf.if %cond3A_177 {
      %add3A_236 = arith.constant 0 : i32
      %add3A_237 = arith.addi %add3A_142, %add3A_236 : i32
      %mul3A_238 = arith.constant 128 : i32
      %mul3A_239 = arith.muli %add3A_237, %mul3A_238 : i32
      "tpu.region"() ({
        %run_scoped3A = tpu.sem_alloc : memref<!tpu.dma_semaphore, #tpu.memory_space<semaphore_mem>>
        %dma_start3A_242 = tpu.memref_slice %arg2[%mul3A_239, %multiple_of3A_145] : memref<160000x640xf32, #tpu.memory_space<hbm>> -> memref<128x128xf32, #tpu.memory_space<hbm>>
        %dma_start3A_243 = tpu.memref_slice %arg2[%mul3A_239, %multiple_of3A_145] : memref<160000x640xf32, #tpu.memory_space<hbm>> -> memref<128x128xf32, #tpu.memory_space<hbm>>
        tpu.enqueue_dma source(%dma_start3A_243 : memref<128x128xf32, #tpu.memory_space<hbm>>) target(%arg9 : memref<128x128xf32, #tpu.memory_space<vmem>>) target_semaphore(%run_scoped3A : memref<!tpu.dma_semaphore, #tpu.memory_space<semaphore_mem>>)
        %dma_wait3A_244 = tpu.memref_slice %arg2[%mul3A_239, %multiple_of3A_145] : memref<160000x640xf32, #tpu.memory_space<hbm>> -> memref<128x128xf32, #tpu.memory_space<hbm>>
        %dma_wait3A_245 = tpu.memref_slice %arg2[%mul3A_239, %multiple_of3A_145] : memref<160000x640xf32, #tpu.memory_space<hbm>> -> memref<128x128xf32, #tpu.memory_space<hbm>>
        tpu.wait_dma2 semaphore(%run_scoped3A : memref<!tpu.dma_semaphore, #tpu.memory_space<semaphore_mem>>) src(%dma_wait3A_245 : memref<128x128xf32, #tpu.memory_space<hbm>>) dst(%arg9 : memref<128x128xf32, #tpu.memory_space<vmem>>)
        tpu.yield
      }) : () -> ()
      %add3A_240 = arith.constant 0 : i32
      %add3A_241 = arith.addi %rem3A_154, %add3A_240 : i32
      "tpu.region"() ({
        %run_scoped3A = tpu.sem_alloc : memref<!tpu.dma_semaphore, #tpu.memory_space<semaphore_mem>>
        %dma_start3A_242 = arith.constant 0 : i32
        %dma_start3A_243 = tpu.memref_slice %arg8[%add3A_241, %dma_start3A_242] : memref<8x128xi32, #tpu.memory_space<vmem>> -> memref<1x128xi32, #tpu.memory_space<vmem>>
        %dma_start3A_244 = tpu.memref_squeeze %dma_start3A_243 : memref<1x128xi32, #tpu.memory_space<vmem>> -> memref<128xi32, #tpu.memory_space<vmem>>
        %dma_start3A_245 = arith.constant 0 : i32
        %dma_start3A_246 = arith.constant 0 : i32
        %dma_start3A_247 = tpu.memref_slice %arg11[%dma_start3A_245, %dma_start3A_246] : memref<10000x128xf32, #tpu.memory_space<vmem_shared>> -> memref<10000x128xf32, #tpu.memory_space<vmem_shared>>
        tpu.enqueue_indirect_dma source(%arg9 : memref<128x128xf32, #tpu.memory_space<vmem>>) target(%dma_start3A_247 : memref<10000x128xf32, #tpu.memory_space<vmem_shared>>) offsets(%dma_start3A_244 : memref<128xi32, #tpu.memory_space<vmem>>) semaphore(%run_scoped3A : memref<!tpu.dma_semaphore, #tpu.memory_space<semaphore_mem>>) {add = true}
        %dma_wait3A_248 = arith.constant 0 : i32
        %dma_wait3A_249 = tpu.memref_slice %arg8[%add3A_241, %dma_wait3A_248] : memref<8x128xi32, #tpu.memory_space<vmem>> -> memref<1x128xi32, #tpu.memory_space<vmem>>
        %dma_wait3A_250 = tpu.memref_squeeze %dma_wait3A_249 : memref<1x128xi32, #tpu.memory_space<vmem>> -> memref<128xi32, #tpu.memory_space<vmem>>
        %dma_wait3A_251 = arith.constant 0 : i32
        %dma_wait3A_252 = arith.constant 0 : i32
        %dma_wait3A_253 = tpu.memref_slice %arg11[%dma_wait3A_251, %dma_wait3A_252] : memref<10000x128xf32, #tpu.memory_space<vmem_shared>> -> memref<10000x128xf32, #tpu.memory_space<vmem_shared>>
        tpu.wait_indirect_dma semaphore(%run_scoped3A : memref<!tpu.dma_semaphore, #tpu.memory_space<semaphore_mem>>) src(%arg9 : memref<128x128xf32, #tpu.memory_space<vmem>>) dst(%dma_wait3A_253 : memref<10000x128xf32, #tpu.memory_space<vmem_shared>>)
        tpu.yield
      }) : () -> ()
    } else {
    }
    %add3A_178 = arith.constant 0 : i32
    %add3A_179 = arith.addi %add3A_148, %add3A_178 : i32
    %mul3A_180 = arith.constant 128 : i32
    %mul3A_181 = arith.muli %add3A_179, %mul3A_180 : i32
    %dma_start3A_182 = tpu.memref_slice %arg2[%mul3A_181, %multiple_of3A_145] : memref<160000x640xf32, #tpu.memory_space<hbm>> -> memref<128x128xf32, #tpu.memory_space<hbm>>
    %dma_start3A_183 = tpu.memref_slice %arg2[%mul3A_181, %multiple_of3A_145] : memref<160000x640xf32, #tpu.memory_space<hbm>> -> memref<128x128xf32, #tpu.memory_space<hbm>>
    tpu.enqueue_dma source(%dma_start3A_183 : memref<128x128xf32, #tpu.memory_space<hbm>>) target(%arg9 : memref<128x128xf32, #tpu.memory_space<vmem>>) target_semaphore(%arg12 : memref<!tpu.dma_semaphore, #tpu.memory_space<semaphore_mem>>)
    %scan3A_184 = arith.constant 0 : i32
    %scan3A_185 = arith.constant 19 : i32
    %scan3A_186 = arith.addi %scan3A_184, %scan3A_185 : i32
    %scan3A_187 = arith.constant 1 : i32
    scf.for %scan3A_236 = %scan3A_184 to %scan3A_186 step %scan3A_187  : i32 {
      %mul3A_237 = arith.constant 2 : i32
      %mul3A_238 = arith.muli %mul3A_237, %scan3A_236 : i32
      %dma_wait3A_239 = arith.constant 0 : i32
      %dma_wait3A_240 = tpu.memref_slice %arg2[%dma_wait3A_239, %multiple_of3A_145] : memref<160000x640xf32, #tpu.memory_space<hbm>> -> memref<128x128xf32, #tpu.memory_space<hbm>>
      %dma_wait3A_241 = arith.constant 0 : i32
      %dma_wait3A_242 = tpu.memref_slice %arg2[%dma_wait3A_241, %multiple_of3A_145] : memref<160000x640xf32, #tpu.memory_space<hbm>> -> memref<128x128xf32, #tpu.memory_space<hbm>>
      tpu.wait_dma2 semaphore(%arg12 : memref<!tpu.dma_semaphore, #tpu.memory_space<semaphore_mem>>) src(%dma_wait3A_242 : memref<128x128xf32, #tpu.memory_space<hbm>>) dst(%arg9 : memref<128x128xf32, #tpu.memory_space<vmem>>)
      %add3A_243 = arith.addi %mul3A_238, %rem3A_150 : i32
      %dma_start3A_244 = arith.constant 0 : i32
      %dma_start3A_245 = tpu.memref_slice %arg7[%add3A_243, %dma_start3A_244] : memref<88x128xi32, #tpu.memory_space<vmem>> -> memref<1x128xi32, #tpu.memory_space<vmem>>
      %dma_start3A_246 = tpu.memref_squeeze %dma_start3A_245 : memref<1x128xi32, #tpu.memory_space<vmem>> -> memref<128xi32, #tpu.memory_space<vmem>>
      %dma_start3A_247 = arith.constant 0 : i32
      %dma_start3A_248 = arith.constant 0 : i32
      %dma_start3A_249 = tpu.memref_slice %arg11[%dma_start3A_247, %dma_start3A_248] : memref<10000x128xf32, #tpu.memory_space<vmem_shared>> -> memref<10000x128xf32, #tpu.memory_space<vmem_shared>>
      tpu.enqueue_indirect_dma source(%arg9 : memref<128x128xf32, #tpu.memory_space<vmem>>) target(%dma_start3A_249 : memref<10000x128xf32, #tpu.memory_space<vmem_shared>>) offsets(%dma_start3A_246 : memref<128xi32, #tpu.memory_space<vmem>>) semaphore(%arg14 : memref<!tpu.dma_semaphore, #tpu.memory_space<semaphore_mem>>) {add = true}
      %gt3A = arith.constant 0 : i32
      %gt3A_250 = arith.cmpi sgt, %scan3A_236, %gt3A : i32
      %convert_element_type3A_251 = arith.extui %gt3A_250 : i1 to i32
      %cond3A_252 = arith.constant 0 : i32
      %cond3A_253 = arith.cmpi ne, %convert_element_type3A_251, %cond3A_252 : i32
      scf.if %cond3A_253 {
        %sub3A_286 = arith.constant 1 : i32
        %sub3A_287 = arith.subi %mul3A_238, %sub3A_286 : i32
        %add3A_288 = arith.addi %sub3A_287, %rem3A_150 : i32
        %dma_wait3A_289 = arith.constant 0 : i32
        %dma_wait3A_290 = tpu.memref_slice %arg7[%add3A_288, %dma_wait3A_289] : memref<88x128xi32, #tpu.memory_space<vmem>> -> memref<1x128xi32, #tpu.memory_space<vmem>>
        %dma_wait3A_291 = tpu.memref_squeeze %dma_wait3A_290 : memref<1x128xi32, #tpu.memory_space<vmem>> -> memref<128xi32, #tpu.memory_space<vmem>>
        %dma_wait3A_292 = arith.constant 0 : i32
        %dma_wait3A_293 = arith.constant 0 : i32
        %dma_wait3A_294 = tpu.memref_slice %arg11[%dma_wait3A_292, %dma_wait3A_293] : memref<10000x128xf32, #tpu.memory_space<vmem_shared>> -> memref<10000x128xf32, #tpu.memory_space<vmem_shared>>
        tpu.wait_indirect_dma semaphore(%arg15 : memref<!tpu.dma_semaphore, #tpu.memory_space<semaphore_mem>>) src(%arg10 : memref<128x128xf32, #tpu.memory_space<vmem>>) dst(%dma_wait3A_294 : memref<10000x128xf32, #tpu.memory_space<vmem_shared>>)
      } else {
      }
      %add3A_254 = arith.constant 1 : i32
      %add3A_255 = arith.addi %mul3A_238, %add3A_254 : i32
      %add3A_256 = arith.addi %add3A_148, %add3A_255 : i32
      %mul3A_257 = arith.constant 128 : i32
      %mul3A_258 = arith.muli %add3A_256, %mul3A_257 : i32
      %dma_start3A_259 = tpu.memref_slice %arg2[%mul3A_258, %multiple_of3A_145] : memref<160000x640xf32, #tpu.memory_space<hbm>> -> memref<128x128xf32, #tpu.memory_space<hbm>>
      %dma_start3A_260 = tpu.memref_slice %arg2[%mul3A_258, %multiple_of3A_145] : memref<160000x640xf32, #tpu.memory_space<hbm>> -> memref<128x128xf32, #tpu.memory_space<hbm>>
      tpu.enqueue_dma source(%dma_start3A_260 : memref<128x128xf32, #tpu.memory_space<hbm>>) target(%arg10 : memref<128x128xf32, #tpu.memory_space<vmem>>) target_semaphore(%arg13 : memref<!tpu.dma_semaphore, #tpu.memory_space<semaphore_mem>>)
      %dma_wait3A_261 = arith.constant 0 : i32
      %dma_wait3A_262 = tpu.memref_slice %arg2[%dma_wait3A_261, %multiple_of3A_145] : memref<160000x640xf32, #tpu.memory_space<hbm>> -> memref<128x128xf32, #tpu.memory_space<hbm>>
      %dma_wait3A_263 = arith.constant 0 : i32
      %dma_wait3A_264 = tpu.memref_slice %arg2[%dma_wait3A_263, %multiple_of3A_145] : memref<160000x640xf32, #tpu.memory_space<hbm>> -> memref<128x128xf32, #tpu.memory_space<hbm>>
      tpu.wait_dma2 semaphore(%arg13 : memref<!tpu.dma_semaphore, #tpu.memory_space<semaphore_mem>>) src(%dma_wait3A_264 : memref<128x128xf32, #tpu.memory_space<hbm>>) dst(%arg10 : memref<128x128xf32, #tpu.memory_space<vmem>>)
      %add3A_265 = arith.constant 1 : i32
      %add3A_266 = arith.addi %mul3A_238, %add3A_265 : i32
      %add3A_267 = arith.addi %add3A_266, %rem3A_150 : i32
      %dma_start3A_268 = arith.constant 0 : i32
      %dma_start3A_269 = tpu.memref_slice %arg7[%add3A_267, %dma_start3A_268] : memref<88x128xi32, #tpu.memory_space<vmem>> -> memref<1x128xi32, #tpu.memory_space<vmem>>
      %dma_start3A_270 = tpu.memref_squeeze %dma_start3A_269 : memref<1x128xi32, #tpu.memory_space<vmem>> -> memref<128xi32, #tpu.memory_space<vmem>>
      %dma_start3A_271 = arith.constant 0 : i32
      %dma_start3A_272 = arith.constant 0 : i32
      %dma_start3A_273 = tpu.memref_slice %arg11[%dma_start3A_271, %dma_start3A_272] : memref<10000x128xf32, #tpu.memory_space<vmem_shared>> -> memref<10000x128xf32, #tpu.memory_space<vmem_shared>>
      tpu.enqueue_indirect_dma source(%arg10 : memref<128x128xf32, #tpu.memory_space<vmem>>) target(%dma_start3A_273 : memref<10000x128xf32, #tpu.memory_space<vmem_shared>>) offsets(%dma_start3A_270 : memref<128xi32, #tpu.memory_space<vmem>>) semaphore(%arg15 : memref<!tpu.dma_semaphore, #tpu.memory_space<semaphore_mem>>) {add = true}
      %add3A_274 = arith.addi %mul3A_238, %rem3A_150 : i32
      %dma_wait3A_275 = arith.constant 0 : i32
      %dma_wait3A_276 = tpu.memref_slice %arg7[%add3A_274, %dma_wait3A_275] : memref<88x128xi32, #tpu.memory_space<vmem>> -> memref<1x128xi32, #tpu.memory_space<vmem>>
      %dma_wait3A_277 = tpu.memref_squeeze %dma_wait3A_276 : memref<1x128xi32, #tpu.memory_space<vmem>> -> memref<128xi32, #tpu.memory_space<vmem>>
      %dma_wait3A_278 = arith.constant 0 : i32
      %dma_wait3A_279 = arith.constant 0 : i32
      %dma_wait3A_280 = tpu.memref_slice %arg11[%dma_wait3A_278, %dma_wait3A_279] : memref<10000x128xf32, #tpu.memory_space<vmem_shared>> -> memref<10000x128xf32, #tpu.memory_space<vmem_shared>>
      tpu.wait_indirect_dma semaphore(%arg14 : memref<!tpu.dma_semaphore, #tpu.memory_space<semaphore_mem>>) src(%arg9 : memref<128x128xf32, #tpu.memory_space<vmem>>) dst(%dma_wait3A_280 : memref<10000x128xf32, #tpu.memory_space<vmem_shared>>)
      %lt3A_281 = arith.constant 18 : i32
      %lt3A_282 = arith.cmpi slt, %scan3A_236, %lt3A_281 : i32
      %convert_element_type3A_283 = arith.extui %lt3A_282 : i1 to i32
      %cond3A_284 = arith.constant 0 : i32
      %cond3A_285 = arith.cmpi ne, %convert_element_type3A_283, %cond3A_284 : i32
      scf.if %cond3A_285 {
        %add3A_286 = arith.constant 2 : i32
        %add3A_287 = arith.addi %mul3A_238, %add3A_286 : i32
        %add3A_288 = arith.addi %add3A_148, %add3A_287 : i32
        %mul3A_289 = arith.constant 128 : i32
        %mul3A_290 = arith.muli %add3A_288, %mul3A_289 : i32
        %dma_start3A_291 = tpu.memref_slice %arg2[%mul3A_290, %multiple_of3A_145] : memref<160000x640xf32, #tpu.memory_space<hbm>> -> memref<128x128xf32, #tpu.memory_space<hbm>>
        %dma_start3A_292 = tpu.memref_slice %arg2[%mul3A_290, %multiple_of3A_145] : memref<160000x640xf32, #tpu.memory_space<hbm>> -> memref<128x128xf32, #tpu.memory_space<hbm>>
        tpu.enqueue_dma source(%dma_start3A_292 : memref<128x128xf32, #tpu.memory_space<hbm>>) target(%arg9 : memref<128x128xf32, #tpu.memory_space<vmem>>) target_semaphore(%arg12 : memref<!tpu.dma_semaphore, #tpu.memory_space<semaphore_mem>>)
      } else {
      }
    }
    %scan3A_188 = arith.constant 19 : i32
    %add3A_189 = arith.constant 37 : i32
    %add3A_190 = arith.addi %add3A_189, %rem3A_150 : i32
    %dma_wait3A_191 = arith.constant 0 : i32
    %dma_wait3A_192 = tpu.memref_slice %arg7[%add3A_190, %dma_wait3A_191] : memref<88x128xi32, #tpu.memory_space<vmem>> -> memref<1x128xi32, #tpu.memory_space<vmem>>
    %dma_wait3A_193 = tpu.memref_squeeze %dma_wait3A_192 : memref<1x128xi32, #tpu.memory_space<vmem>> -> memref<128xi32, #tpu.memory_space<vmem>>
    %dma_wait3A_194 = arith.constant 0 : i32
    %dma_wait3A_195 = arith.constant 0 : i32
    %dma_wait3A_196 = tpu.memref_slice %arg11[%dma_wait3A_194, %dma_wait3A_195] : memref<10000x128xf32, #tpu.memory_space<vmem_shared>> -> memref<10000x128xf32, #tpu.memory_space<vmem_shared>>
    tpu.wait_indirect_dma semaphore(%arg15 : memref<!tpu.dma_semaphore, #tpu.memory_space<semaphore_mem>>) src(%arg10 : memref<128x128xf32, #tpu.memory_space<vmem>>) dst(%dma_wait3A_196 : memref<10000x128xf32, #tpu.memory_space<vmem_shared>>)
    %add3A_197 = arith.constant 38 : i32
    %add3A_198 = arith.addi %add3A_148, %add3A_197 : i32
    %mul3A_199 = arith.constant 128 : i32
    %mul3A_200 = arith.muli %add3A_198, %mul3A_199 : i32
    "tpu.region"() ({
      %run_scoped3A = tpu.sem_alloc : memref<!tpu.dma_semaphore, #tpu.memory_space<semaphore_mem>>
      %dma_start3A_236 = tpu.memref_slice %arg2[%mul3A_200, %multiple_of3A_145] : memref<160000x640xf32, #tpu.memory_space<hbm>> -> memref<128x128xf32, #tpu.memory_space<hbm>>
      %dma_start3A_237 = tpu.memref_slice %arg2[%mul3A_200, %multiple_of3A_145] : memref<160000x640xf32, #tpu.memory_space<hbm>> -> memref<128x128xf32, #tpu.memory_space<hbm>>
      tpu.enqueue_dma source(%dma_start3A_237 : memref<128x128xf32, #tpu.memory_space<hbm>>) target(%arg9 : memref<128x128xf32, #tpu.memory_space<vmem>>) target_semaphore(%run_scoped3A : memref<!tpu.dma_semaphore, #tpu.memory_space<semaphore_mem>>)
      %dma_wait3A_238 = tpu.memref_slice %arg2[%mul3A_200, %multiple_of3A_145] : memref<160000x640xf32, #tpu.memory_space<hbm>> -> memref<128x128xf32, #tpu.memory_space<hbm>>
      %dma_wait3A_239 = tpu.memref_slice %arg2[%mul3A_200, %multiple_of3A_145] : memref<160000x640xf32, #tpu.memory_space<hbm>> -> memref<128x128xf32, #tpu.memory_space<hbm>>
      tpu.wait_dma2 semaphore(%run_scoped3A : memref<!tpu.dma_semaphore, #tpu.memory_space<semaphore_mem>>) src(%dma_wait3A_239 : memref<128x128xf32, #tpu.memory_space<hbm>>) dst(%arg9 : memref<128x128xf32, #tpu.memory_space<vmem>>)
      tpu.yield
    }) : () -> ()
    %add3A_201 = arith.constant 38 : i32
    %add3A_202 = arith.addi %add3A_201, %rem3A_150 : i32
    "tpu.region"() ({
      %run_scoped3A = tpu.sem_alloc : memref<!tpu.dma_semaphore, #tpu.memory_space<semaphore_mem>>
      %dma_start3A_236 = arith.constant 0 : i32
      %dma_start3A_237 = tpu.memref_slice %arg7[%add3A_202, %dma_start3A_236] : memref<88x128xi32, #tpu.memory_space<vmem>> -> memref<1x128xi32, #tpu.memory_space<vmem>>
      %dma_start3A_238 = tpu.memref_squeeze %dma_start3A_237 : memref<1x128xi32, #tpu.memory_space<vmem>> -> memref<128xi32, #tpu.memory_space<vmem>>
      %dma_start3A_239 = arith.constant 0 : i32
      %dma_start3A_240 = arith.constant 0 : i32
      %dma_start3A_241 = tpu.memref_slice %arg11[%dma_start3A_239, %dma_start3A_240] : memref<10000x128xf32, #tpu.memory_space<vmem_shared>> -> memref<10000x128xf32, #tpu.memory_space<vmem_shared>>
      tpu.enqueue_indirect_dma source(%arg9 : memref<128x128xf32, #tpu.memory_space<vmem>>) target(%dma_start3A_241 : memref<10000x128xf32, #tpu.memory_space<vmem_shared>>) offsets(%dma_start3A_238 : memref<128xi32, #tpu.memory_space<vmem>>) semaphore(%run_scoped3A : memref<!tpu.dma_semaphore, #tpu.memory_space<semaphore_mem>>) {add = true}
      %dma_wait3A_242 = arith.constant 0 : i32
      %dma_wait3A_243 = tpu.memref_slice %arg7[%add3A_202, %dma_wait3A_242] : memref<88x128xi32, #tpu.memory_space<vmem>> -> memref<1x128xi32, #tpu.memory_space<vmem>>
      %dma_wait3A_244 = tpu.memref_squeeze %dma_wait3A_243 : memref<1x128xi32, #tpu.memory_space<vmem>> -> memref<128xi32, #tpu.memory_space<vmem>>
      %dma_wait3A_245 = arith.constant 0 : i32
      %dma_wait3A_246 = arith.constant 0 : i32
      %dma_wait3A_247 = tpu.memref_slice %arg11[%dma_wait3A_245, %dma_wait3A_246] : memref<10000x128xf32, #tpu.memory_space<vmem_shared>> -> memref<10000x128xf32, #tpu.memory_space<vmem_shared>>
      tpu.wait_indirect_dma semaphore(%run_scoped3A : memref<!tpu.dma_semaphore, #tpu.memory_space<semaphore_mem>>) src(%arg9 : memref<128x128xf32, #tpu.memory_space<vmem>>) dst(%dma_wait3A_247 : memref<10000x128xf32, #tpu.memory_space<vmem_shared>>)
      tpu.yield
    }) : () -> ()
    %barrier3A_203 = arith.constant 0 : index
    tpu.barrier barrier_id(%barrier3A_203)
    %eq3A_204 = arith.constant 0 : i32
    %eq3A_205 = arith.cmpi eq, %arg0, %eq3A_204 : i32
    %lt3A_206 = arith.constant 15 : i32
    %lt3A_207 = arith.cmpi slt, %arg1, %lt3A_206 : i32
    %and3A = arith.andi %eq3A_205, %lt3A_207 : i1
    %convert_element_type3A_208 = arith.extui %and3A : i1 to i32
    %cond3A_209 = arith.constant 0 : i32
    %cond3A_210 = arith.cmpi ne, %convert_element_type3A_208, %cond3A_209 : i32
    scf.if %cond3A_210 {
      "tpu.region"() ({
        %run_scoped3A = tpu.sem_alloc : memref<!tpu.dma_semaphore, #tpu.memory_space<semaphore_mem>>
        %dma_start3A_236 = tpu.memref_slice %arg5[%mul3A_0, %multiple_of3A_145] : memref<10000x640xf32, #tpu.memory_space<hbm>> -> memref<632x128xf32, #tpu.memory_space<hbm>>
        %dma_start3A_237 = arith.constant 0 : i32
        %dma_start3A_238 = tpu.memref_slice %arg11[%mul3A_0, %dma_start3A_237] : memref<10000x128xf32, #tpu.memory_space<vmem_shared>> -> memref<632x128xf32, #tpu.memory_space<vmem_shared>>
        tpu.enqueue_dma source(%dma_start3A_238 : memref<632x128xf32, #tpu.memory_space<vmem_shared>>) target(%dma_start3A_236 : memref<632x128xf32, #tpu.memory_space<hbm>>) target_semaphore(%run_scoped3A : memref<!tpu.dma_semaphore, #tpu.memory_space<semaphore_mem>>)
        %dma_wait3A_239 = tpu.memref_slice %arg5[%mul3A_0, %multiple_of3A_145] : memref<10000x640xf32, #tpu.memory_space<hbm>> -> memref<632x128xf32, #tpu.memory_space<hbm>>
        %dma_wait3A_240 = arith.constant 0 : i32
        %dma_wait3A_241 = tpu.memref_slice %arg11[%mul3A_0, %dma_wait3A_240] : memref<10000x128xf32, #tpu.memory_space<vmem_shared>> -> memref<632x128xf32, #tpu.memory_space<vmem_shared>>
        tpu.wait_dma2 semaphore(%run_scoped3A : memref<!tpu.dma_semaphore, #tpu.memory_space<semaphore_mem>>) src(%dma_wait3A_241 : memref<632x128xf32, #tpu.memory_space<vmem_shared>>) dst(%dma_wait3A_239 : memref<632x128xf32, #tpu.memory_space<hbm>>)
        tpu.yield
      }) : () -> ()
    } else {
    }
    %eq3A_211 = arith.constant 0 : i32
    %eq3A_212 = arith.cmpi eq, %arg0, %eq3A_211 : i32
    %eq3A_213 = arith.constant 15 : i32
    %eq3A_214 = arith.cmpi eq, %arg1, %eq3A_213 : i32
    %and3A_215 = arith.andi %eq3A_212, %eq3A_214 : i1
    %convert_element_type3A_216 = arith.extui %and3A_215 : i1 to i32
    %cond3A_217 = arith.constant 0 : i32
    %cond3A_218 = arith.cmpi ne, %convert_element_type3A_216, %cond3A_217 : i32
    scf.if %cond3A_218 {
      "tpu.region"() ({
        %run_scoped3A = tpu.sem_alloc : memref<!tpu.dma_semaphore, #tpu.memory_space<semaphore_mem>>
        %dma_start3A_236 = tpu.memref_slice %arg5[%mul3A_0, %multiple_of3A_145] : memref<10000x640xf32, #tpu.memory_space<hbm>> -> memref<520x128xf32, #tpu.memory_space<hbm>>
        %dma_start3A_237 = arith.constant 0 : i32
        %dma_start3A_238 = tpu.memref_slice %arg11[%mul3A_0, %dma_start3A_237] : memref<10000x128xf32, #tpu.memory_space<vmem_shared>> -> memref<520x128xf32, #tpu.memory_space<vmem_shared>>
        tpu.enqueue_dma source(%dma_start3A_238 : memref<520x128xf32, #tpu.memory_space<vmem_shared>>) target(%dma_start3A_236 : memref<520x128xf32, #tpu.memory_space<hbm>>) target_semaphore(%run_scoped3A : memref<!tpu.dma_semaphore, #tpu.memory_space<semaphore_mem>>)
        %dma_wait3A_239 = tpu.memref_slice %arg5[%mul3A_0, %multiple_of3A_145] : memref<10000x640xf32, #tpu.memory_space<hbm>> -> memref<520x128xf32, #tpu.memory_space<hbm>>
        %dma_wait3A_240 = arith.constant 0 : i32
        %dma_wait3A_241 = tpu.memref_slice %arg11[%mul3A_0, %dma_wait3A_240] : memref<10000x128xf32, #tpu.memory_space<vmem_shared>> -> memref<520x128xf32, #tpu.memory_space<vmem_shared>>
        tpu.wait_dma2 semaphore(%run_scoped3A : memref<!tpu.dma_semaphore, #tpu.memory_space<semaphore_mem>>) src(%dma_wait3A_241 : memref<520x128xf32, #tpu.memory_space<vmem_shared>>) dst(%dma_wait3A_239 : memref<520x128xf32, #tpu.memory_space<hbm>>)
        tpu.yield
      }) : () -> ()
    } else {
    }
    %eq3A_219 = arith.constant 1 : i32
    %eq3A_220 = arith.cmpi eq, %arg0, %eq3A_219 : i32
    %lt3A_221 = arith.constant 15 : i32
    %lt3A_222 = arith.cmpi slt, %arg1, %lt3A_221 : i32
    %and3A_223 = arith.andi %eq3A_220, %lt3A_222 : i1
    %convert_element_type3A_224 = arith.extui %and3A_223 : i1 to i32
    %cond3A_225 = arith.constant 0 : i32
    %cond3A_226 = arith.cmpi ne, %convert_element_type3A_224, %cond3A_225 : i32
    scf.if %cond3A_226 {
      "tpu.region"() ({
        %run_scoped3A = tpu.sem_alloc : memref<!tpu.dma_semaphore, #tpu.memory_space<semaphore_mem>>
        %dma_start3A_236 = arith.constant 0 : i32
        %dma_start3A_237 = tpu.memref_slice %arg6[%mul3A_0, %dma_start3A_236] : memref<10000x128xf32, #tpu.memory_space<hbm>> -> memref<632x128xf32, #tpu.memory_space<hbm>>
        %dma_start3A_238 = arith.constant 0 : i32
        %dma_start3A_239 = tpu.memref_slice %arg11[%mul3A_0, %dma_start3A_238] : memref<10000x128xf32, #tpu.memory_space<vmem_shared>> -> memref<632x128xf32, #tpu.memory_space<vmem_shared>>
        tpu.enqueue_dma source(%dma_start3A_239 : memref<632x128xf32, #tpu.memory_space<vmem_shared>>) target(%dma_start3A_237 : memref<632x128xf32, #tpu.memory_space<hbm>>) target_semaphore(%run_scoped3A : memref<!tpu.dma_semaphore, #tpu.memory_space<semaphore_mem>>)
        %dma_wait3A_240 = arith.constant 0 : i32
        %dma_wait3A_241 = tpu.memref_slice %arg6[%mul3A_0, %dma_wait3A_240] : memref<10000x128xf32, #tpu.memory_space<hbm>> -> memref<632x128xf32, #tpu.memory_space<hbm>>
        %dma_wait3A_242 = arith.constant 0 : i32
        %dma_wait3A_243 = tpu.memref_slice %arg11[%mul3A_0, %dma_wait3A_242] : memref<10000x128xf32, #tpu.memory_space<vmem_shared>> -> memref<632x128xf32, #tpu.memory_space<vmem_shared>>
        tpu.wait_dma2 semaphore(%run_scoped3A : memref<!tpu.dma_semaphore, #tpu.memory_space<semaphore_mem>>) src(%dma_wait3A_243 : memref<632x128xf32, #tpu.memory_space<vmem_shared>>) dst(%dma_wait3A_241 : memref<632x128xf32, #tpu.memory_space<hbm>>)
        tpu.yield
      }) : () -> ()
    } else {
    }
    %eq3A_227 = arith.constant 1 : i32
    %eq3A_228 = arith.cmpi eq, %arg0, %eq3A_227 : i32
    %eq3A_229 = arith.constant 15 : i32
    %eq3A_230 = arith.cmpi eq, %arg1, %eq3A_229 : i32
    %and3A_231 = arith.andi %eq3A_228, %eq3A_230 : i1
    %convert_element_type3A_232 = arith.extui %and3A_231 : i1 to i32
    %cond3A_233 = arith.constant 0 : i32
    %cond3A_234 = arith.cmpi ne, %convert_element_type3A_232, %cond3A_233 : i32
    scf.if %cond3A_234 {
      "tpu.region"() ({
        %run_scoped3A = tpu.sem_alloc : memref<!tpu.dma_semaphore, #tpu.memory_space<semaphore_mem>>
        %dma_start3A_236 = arith.constant 0 : i32
        %dma_start3A_237 = tpu.memref_slice %arg6[%mul3A_0, %dma_start3A_236] : memref<10000x128xf32, #tpu.memory_space<hbm>> -> memref<520x128xf32, #tpu.memory_space<hbm>>
        %dma_start3A_238 = arith.constant 0 : i32
        %dma_start3A_239 = tpu.memref_slice %arg11[%mul3A_0, %dma_start3A_238] : memref<10000x128xf32, #tpu.memory_space<vmem_shared>> -> memref<520x128xf32, #tpu.memory_space<vmem_shared>>
        tpu.enqueue_dma source(%dma_start3A_239 : memref<520x128xf32, #tpu.memory_space<vmem_shared>>) target(%dma_start3A_237 : memref<520x128xf32, #tpu.memory_space<hbm>>) target_semaphore(%run_scoped3A : memref<!tpu.dma_semaphore, #tpu.memory_space<semaphore_mem>>)
        %dma_wait3A_240 = arith.constant 0 : i32
        %dma_wait3A_241 = tpu.memref_slice %arg6[%mul3A_0, %dma_wait3A_240] : memref<10000x128xf32, #tpu.memory_space<hbm>> -> memref<520x128xf32, #tpu.memory_space<hbm>>
        %dma_wait3A_242 = arith.constant 0 : i32
        %dma_wait3A_243 = tpu.memref_slice %arg11[%mul3A_0, %dma_wait3A_242] : memref<10000x128xf32, #tpu.memory_space<vmem_shared>> -> memref<520x128xf32, #tpu.memory_space<vmem_shared>>
        tpu.wait_dma2 semaphore(%run_scoped3A : memref<!tpu.dma_semaphore, #tpu.memory_space<semaphore_mem>>) src(%dma_wait3A_243 : memref<520x128xf32, #tpu.memory_space<vmem_shared>>) dst(%dma_wait3A_241 : memref<520x128xf32, #tpu.memory_space<hbm>>)
        tpu.yield
      }) : () -> ()
    } else {
    }
    %barrier3A_235 = arith.constant 0 : index
    tpu.barrier barrier_id(%barrier3A_235)
    return
  }
}

module attributes {stable_mosaic.version = 14 : i64} {
  func.func @body(%arg0: i32, %arg1: memref<1280x128xf32, #tpu.memory_space<vmem>>, %arg2: memref<4x1280xf32, #tpu.memory_space<vmem>>, %arg3: memref<8x1280xf32, #tpu.memory_space<vmem>>, %arg4: memref<8x64xf32, #tpu.memory_space<vmem>>, %arg5: memref<64x64xf32, #tpu.memory_space<vmem>>, %arg6: memref<64x640xf32, #tpu.memory_space<vmem>>, %arg7: memref<32x128xf32, #tpu.memory_space<vmem>>, %arg8: memref<4x128xf32, #tpu.memory_space<vmem>>, %arg9: memref<1280x640xf32, #tpu.memory_space<vmem>>) attributes {dimension_semantics = [#tpu.dimension_semantics<arbitrary>], iteration_bounds = array<i64: 125>, scalar_prefetch = 0 : i64, scratch_operands = 0 : i64, tpu.core_type = #tpu.core_type<tc>, window_params = [{transform_indices = @transform_0, window_bounds = array<i64: 1280, 128>}, {transform_indices = @transform_1, window_bounds = array<i64: 4, 1280>}, {transform_indices = @transform_2, window_bounds = array<i64: 8, 1280>}, {pipeline_mode = #tpu.pipeline_mode<synchronous>, transform_indices = @transform_3, window_bounds = array<i64: 8, 64>}, {pipeline_mode = #tpu.pipeline_mode<synchronous>, transform_indices = @transform_4, window_bounds = array<i64: 64, 64>}, {pipeline_mode = #tpu.pipeline_mode<synchronous>, transform_indices = @transform_5, window_bounds = array<i64: 64, 640>}, {pipeline_mode = #tpu.pipeline_mode<synchronous>, transform_indices = @transform_6, window_bounds = array<i64: 32, 128>}, {pipeline_mode = #tpu.pipeline_mode<synchronous>, transform_indices = @transform_7, window_bounds = array<i64: 4, 128>}, {transform_indices = @transform_8, window_bounds = array<i64: 1280, 640>}]} {
    %get3A = arith.constant 0 : index
    %get3A_0 = arith.constant 0 : index
    %get3A_1 = vector.load %arg3[%get3A, %get3A_0] : memref<8x1280xf32, #tpu.memory_space<vmem>>, vector<8x1280xf32>
    %get3A_2 = arith.constant 0 : index
    %get3A_3 = arith.constant 0 : index
    %get3A_4 = vector.load %arg4[%get3A_2, %get3A_3] : memref<8x64xf32, #tpu.memory_space<vmem>>, vector<8x64xf32>
    %dot_general3A = arith.constant dense<0.000000e+00> : vector<1280x64xf32>
    %dot_general3A_5 = tpu.matmul %get3A_1, %get3A_4, %dot_general3A {dimension_numbers = #tpu.dot_dimension_numbers<[0], [0], [1], [1], [0, 1, 1, 1], [], []>, transpose_lhs_hint = false} : vector<8x1280xf32>, vector<8x64xf32>, vector<1280x64xf32> -> vector<1280x64xf32>
    %mul3A = arith.constant 0.353553385 : f32
    %mul3A_6 = vector.broadcast %mul3A : f32 to vector<1280x64xf32>
    %mul3A_7 = arith.mulf %dot_general3A_5, %mul3A_6 : vector<1280x64xf32>
    %logistic3A = arith.negf %mul3A_7 : vector<1280x64xf32>
    %logistic3A_8 = math.exp %logistic3A : vector<1280x64xf32>
    %logistic3A_9 = arith.constant 1.000000e+00 : f32
    %logistic3A_10 = vector.broadcast %logistic3A_9 : f32 to vector<1280x64xf32>
    %logistic3A_11 = arith.addf %logistic3A_10, %logistic3A_8 : vector<1280x64xf32>
    %logistic3A_12 = arith.divf %logistic3A_10, %logistic3A_11 : vector<1280x64xf32>
    %mul3A_13 = arith.mulf %mul3A_7, %logistic3A_12 : vector<1280x64xf32>
    %get3A_14 = arith.constant 0 : index
    %get3A_15 = arith.constant 0 : index
    %get3A_16 = vector.load %arg5[%get3A_14, %get3A_15] : memref<64x64xf32, #tpu.memory_space<vmem>>, vector<64x64xf32>
    %dot_general3A_17 = arith.constant dense<0.000000e+00> : vector<1280x64xf32>
    %dot_general3A_18 = tpu.matmul %mul3A_13, %get3A_16, %dot_general3A_17 {dimension_numbers = #tpu.dot_dimension_numbers<[1], [0], [0], [1], [0, 0, 1, 1], [], []>, transpose_lhs_hint = false} : vector<1280x64xf32>, vector<64x64xf32>, vector<1280x64xf32> -> vector<1280x64xf32>
    %mul3A_19 = arith.constant 1.250000e-01 : f32
    %mul3A_20 = vector.broadcast %mul3A_19 : f32 to vector<1280x64xf32>
    %mul3A_21 = arith.mulf %dot_general3A_18, %mul3A_20 : vector<1280x64xf32>
    %logistic3A_22 = arith.negf %mul3A_21 : vector<1280x64xf32>
    %logistic3A_23 = math.exp %logistic3A_22 : vector<1280x64xf32>
    %logistic3A_24 = arith.constant 1.000000e+00 : f32
    %logistic3A_25 = vector.broadcast %logistic3A_24 : f32 to vector<1280x64xf32>
    %logistic3A_26 = arith.addf %logistic3A_25, %logistic3A_23 : vector<1280x64xf32>
    %logistic3A_27 = arith.divf %logistic3A_25, %logistic3A_26 : vector<1280x64xf32>
    %mul3A_28 = arith.mulf %mul3A_21, %logistic3A_27 : vector<1280x64xf32>
    %get3A_29 = arith.constant 0 : index
    %get3A_30 = arith.constant 0 : index
    %get3A_31 = vector.load %arg6[%get3A_29, %get3A_30] : memref<64x640xf32, #tpu.memory_space<vmem>>, vector<64x640xf32>
    %dot_general3A_32 = arith.constant dense<0.000000e+00> : vector<1280x640xf32>
    %dot_general3A_33 = tpu.matmul %mul3A_28, %get3A_31, %dot_general3A_32 {dimension_numbers = #tpu.dot_dimension_numbers<[1], [0], [0], [1], [0, 0, 1, 1], [], []>, transpose_lhs_hint = false} : vector<1280x64xf32>, vector<64x640xf32>, vector<1280x640xf32> -> vector<1280x640xf32>
    %mul3A_34 = arith.constant 3.125000e-02 : f32
    %mul3A_35 = vector.broadcast %mul3A_34 : f32 to vector<1280x640xf32>
    %mul3A_36 = arith.mulf %dot_general3A_33, %mul3A_35 : vector<1280x640xf32>
    %get3A_37 = arith.constant 0 : index
    %get3A_38 = arith.constant 0 : index
    %get3A_39 = vector.load %arg1[%get3A_37, %get3A_38] : memref<1280x128xf32, #tpu.memory_space<vmem>>, vector<1280x128xf32>
    %get3A_40 = arith.constant 0 : index
    %get3A_41 = arith.constant 0 : index
    %get3A_42 = vector.load %arg2[%get3A_40, %get3A_41] : memref<4x1280xf32, #tpu.memory_space<vmem>>, vector<4x1280xf32>
    %get3A_43 = arith.constant 0 : index
    %get3A_44 = arith.constant 0 : index
    %get3A_45 = vector.load %arg8[%get3A_43, %get3A_44] : memref<4x128xf32, #tpu.memory_space<vmem>>, vector<4x128xf32>
    %dot_general3A_46 = arith.constant dense<0.000000e+00> : vector<1280x128xf32>
    %dot_general3A_47 = tpu.matmul %get3A_42, %get3A_45, %dot_general3A_46 {dimension_numbers = #tpu.dot_dimension_numbers<[0], [0], [1], [1], [0, 1, 1, 1], [], []>, transpose_lhs_hint = false} : vector<4x1280xf32>, vector<4x128xf32>, vector<1280x128xf32> -> vector<1280x128xf32>
    %slice3A = vector.extract_strided_slice %mul3A_36 {offsets = [0, 0], sizes = [1280, 128], strides = [1, 1]} : vector<1280x640xf32> to vector<1280x128xf32>
    %mul3A_48 = arith.mulf %get3A_39, %slice3A : vector<1280x128xf32>
    %swap3A = arith.constant 0 : index
    %swap3A_49 = arith.constant 0 : index
    %swap3A_50 = vector.load %arg9[%swap3A, %swap3A_49] : memref<1280x640xf32, #tpu.memory_space<vmem>>, vector<1280x128xf32>
    tpu.vector_store %arg9[%swap3A, %swap3A_49], %mul3A_48 {strides = array<i32>} : memref<1280x640xf32, #tpu.memory_space<vmem>>, vector<1280x128xf32>,
    %slice3A_51 = vector.extract_strided_slice %get3A_39 {offsets = [0, 0], sizes = [1280, 32], strides = [1, 1]} : vector<1280x128xf32> to vector<1280x32xf32>
    %get3A_52 = arith.constant 0 : index
    %get3A_53 = arith.constant 0 : index
    %get3A_54 = vector.load %arg7[%get3A_52, %get3A_53] : memref<32x128xf32, #tpu.memory_space<vmem>>, vector<32x128xf32>
    %dot_general3A_55 = arith.constant dense<0.000000e+00> : vector<1280x128xf32>
    %dot_general3A_56 = tpu.matmul %slice3A_51, %get3A_54, %dot_general3A_55 {dimension_numbers = #tpu.dot_dimension_numbers<[1], [0], [0], [1], [0, 0, 1, 1], [], []>, transpose_lhs_hint = false} : vector<1280x32xf32>, vector<32x128xf32>, vector<1280x128xf32> -> vector<1280x128xf32>
    %mul3A_57 = arith.mulf %dot_general3A_56, %dot_general3A_47 : vector<1280x128xf32>
    %slice3A_58 = vector.extract_strided_slice %mul3A_36 {offsets = [0, 128], sizes = [1280, 128], strides = [1, 1]} : vector<1280x640xf32> to vector<1280x128xf32>
    %mul3A_59 = arith.mulf %mul3A_57, %slice3A_58 : vector<1280x128xf32>
    %swap3A_60 = arith.constant 0 : index
    %swap3A_61 = arith.constant 128 : index
    %swap3A_62 = vector.load %arg9[%swap3A_60, %swap3A_61] : memref<1280x640xf32, #tpu.memory_space<vmem>>, vector<1280x128xf32>
    tpu.vector_store %arg9[%swap3A_60, %swap3A_61], %mul3A_59 {strides = array<i32>} : memref<1280x640xf32, #tpu.memory_space<vmem>>, vector<1280x128xf32>,
    %slice3A_63 = vector.extract_strided_slice %get3A_39 {offsets = [0, 32], sizes = [1280, 32], strides = [1, 1]} : vector<1280x128xf32> to vector<1280x32xf32>
    %get3A_64 = arith.constant 0 : index
    %get3A_65 = arith.constant 0 : index
    %get3A_66 = vector.load %arg7[%get3A_64, %get3A_65] : memref<32x128xf32, #tpu.memory_space<vmem>>, vector<32x128xf32>
    %dot_general3A_67 = arith.constant dense<0.000000e+00> : vector<1280x128xf32>
    %dot_general3A_68 = tpu.matmul %slice3A_63, %get3A_66, %dot_general3A_67 {dimension_numbers = #tpu.dot_dimension_numbers<[1], [0], [0], [1], [0, 0, 1, 1], [], []>, transpose_lhs_hint = false} : vector<1280x32xf32>, vector<32x128xf32>, vector<1280x128xf32> -> vector<1280x128xf32>
    %mul3A_69 = arith.mulf %dot_general3A_68, %dot_general3A_47 : vector<1280x128xf32>
    %slice3A_70 = vector.extract_strided_slice %mul3A_36 {offsets = [0, 256], sizes = [1280, 128], strides = [1, 1]} : vector<1280x640xf32> to vector<1280x128xf32>
    %mul3A_71 = arith.mulf %mul3A_69, %slice3A_70 : vector<1280x128xf32>
    %swap3A_72 = arith.constant 0 : index
    %swap3A_73 = arith.constant 256 : index
    %swap3A_74 = vector.load %arg9[%swap3A_72, %swap3A_73] : memref<1280x640xf32, #tpu.memory_space<vmem>>, vector<1280x128xf32>
    tpu.vector_store %arg9[%swap3A_72, %swap3A_73], %mul3A_71 {strides = array<i32>} : memref<1280x640xf32, #tpu.memory_space<vmem>>, vector<1280x128xf32>,
    %slice3A_75 = vector.extract_strided_slice %get3A_39 {offsets = [0, 64], sizes = [1280, 32], strides = [1, 1]} : vector<1280x128xf32> to vector<1280x32xf32>
    %get3A_76 = arith.constant 0 : index
    %get3A_77 = arith.constant 0 : index
    %get3A_78 = vector.load %arg7[%get3A_76, %get3A_77] : memref<32x128xf32, #tpu.memory_space<vmem>>, vector<32x128xf32>
    %dot_general3A_79 = arith.constant dense<0.000000e+00> : vector<1280x128xf32>
    %dot_general3A_80 = tpu.matmul %slice3A_75, %get3A_78, %dot_general3A_79 {dimension_numbers = #tpu.dot_dimension_numbers<[1], [0], [0], [1], [0, 0, 1, 1], [], []>, transpose_lhs_hint = false} : vector<1280x32xf32>, vector<32x128xf32>, vector<1280x128xf32> -> vector<1280x128xf32>
    %mul3A_81 = arith.mulf %dot_general3A_80, %dot_general3A_47 : vector<1280x128xf32>
    %slice3A_82 = vector.extract_strided_slice %mul3A_36 {offsets = [0, 384], sizes = [1280, 128], strides = [1, 1]} : vector<1280x640xf32> to vector<1280x128xf32>
    %mul3A_83 = arith.mulf %mul3A_81, %slice3A_82 : vector<1280x128xf32>
    %swap3A_84 = arith.constant 0 : index
    %swap3A_85 = arith.constant 384 : index
    %swap3A_86 = vector.load %arg9[%swap3A_84, %swap3A_85] : memref<1280x640xf32, #tpu.memory_space<vmem>>, vector<1280x128xf32>
    tpu.vector_store %arg9[%swap3A_84, %swap3A_85], %mul3A_83 {strides = array<i32>} : memref<1280x640xf32, #tpu.memory_space<vmem>>, vector<1280x128xf32>,
    %slice3A_87 = vector.extract_strided_slice %get3A_39 {offsets = [0, 96], sizes = [1280, 32], strides = [1, 1]} : vector<1280x128xf32> to vector<1280x32xf32>
    %get3A_88 = arith.constant 0 : index
    %get3A_89 = arith.constant 0 : index
    %get3A_90 = vector.load %arg7[%get3A_88, %get3A_89] : memref<32x128xf32, #tpu.memory_space<vmem>>, vector<32x128xf32>
    %dot_general3A_91 = arith.constant dense<0.000000e+00> : vector<1280x128xf32>
    %dot_general3A_92 = tpu.matmul %slice3A_87, %get3A_90, %dot_general3A_91 {dimension_numbers = #tpu.dot_dimension_numbers<[1], [0], [0], [1], [0, 0, 1, 1], [], []>, transpose_lhs_hint = false} : vector<1280x32xf32>, vector<32x128xf32>, vector<1280x128xf32> -> vector<1280x128xf32>
    %mul3A_93 = arith.mulf %dot_general3A_92, %dot_general3A_47 : vector<1280x128xf32>
    %slice3A_94 = vector.extract_strided_slice %mul3A_36 {offsets = [0, 512], sizes = [1280, 128], strides = [1, 1]} : vector<1280x640xf32> to vector<1280x128xf32>
    %mul3A_95 = arith.mulf %mul3A_93, %slice3A_94 : vector<1280x128xf32>
    %swap3A_96 = arith.constant 0 : index
    %swap3A_97 = arith.constant 512 : index
    %swap3A_98 = vector.load %arg9[%swap3A_96, %swap3A_97] : memref<1280x640xf32, #tpu.memory_space<vmem>>, vector<1280x128xf32>
    tpu.vector_store %arg9[%swap3A_96, %swap3A_97], %mul3A_95 {strides = array<i32>} : memref<1280x640xf32, #tpu.memory_space<vmem>>, vector<1280x128xf32>,
    return
  }
  func.func @transform_0(%arg0: i32) -> (i32, i32) {
    %c0_i32 = arith.constant 0 : i32
    %c0_i32_0 = arith.constant 0 : i32
    return %arg0, %c0_i32 : i32, i32
  }
  func.func @transform_1(%arg0: i32) -> (i32, i32) {
    %c0_i32 = arith.constant 0 : i32
    %c0_i32_0 = arith.constant 0 : i32
    return %c0_i32, %arg0 : i32, i32
  }
  func.func @transform_2(%arg0: i32) -> (i32, i32) {
    %c0_i32 = arith.constant 0 : i32
    %c0_i32_0 = arith.constant 0 : i32
    return %c0_i32, %arg0 : i32, i32
  }
  func.func @transform_3(%arg0: i32) -> (i32, i32) {
    %c0_i32 = arith.constant 0 : i32
    %c0_i32_0 = arith.constant 0 : i32
    %c0_i32_1 = arith.constant 0 : i32
    return %c0_i32, %c0_i32_0 : i32, i32
  }
  func.func @transform_4(%arg0: i32) -> (i32, i32) {
    %c0_i32 = arith.constant 0 : i32
    %c0_i32_0 = arith.constant 0 : i32
    %c0_i32_1 = arith.constant 0 : i32
    return %c0_i32, %c0_i32_0 : i32, i32
  }
  func.func @transform_5(%arg0: i32) -> (i32, i32) {
    %c0_i32 = arith.constant 0 : i32
    %c0_i32_0 = arith.constant 0 : i32
    %c0_i32_1 = arith.constant 0 : i32
    return %c0_i32, %c0_i32_0 : i32, i32
  }
  func.func @transform_6(%arg0: i32) -> (i32, i32) {
    %c0_i32 = arith.constant 0 : i32
    %c0_i32_0 = arith.constant 0 : i32
    %c0_i32_1 = arith.constant 0 : i32
    return %c0_i32, %c0_i32_0 : i32, i32
  }
  func.func @transform_7(%arg0: i32) -> (i32, i32) {
    %c0_i32 = arith.constant 0 : i32
    %c0_i32_0 = arith.constant 0 : i32
    %c0_i32_1 = arith.constant 0 : i32
    return %c0_i32, %c0_i32_0 : i32, i32
  }
  func.func @transform_8(%arg0: i32) -> (i32, i32) {
    %c0_i32 = arith.constant 0 : i32
    %c0_i32_0 = arith.constant 0 : i32
    return %arg0, %c0_i32 : i32, i32
  }
}

</mosaic_0001>

<sc_bundles>
// kernel: kernel.5.cloned.1.call-start
scs
__scs_entry_jumppad:
0x0: {  	(pc) =	sbr.rel $0x88, $3  }
0x1: {  	(tag) =	ssettag $0x0;
	lr =	simm.s32 $0x1  }
0x2: {  	[smem:$0x3F99] =	sst lr;
	_ =	strace $0xD0000000  }
0x3: {  	_ = 	snop  }
0x4: {  	_ = 	snop  }
0x5: {  	_ = 	snop  }
0x6: {  	_ = 	snop  }
0x7: {  	_ = 	snop  }
__scs_overlays_trampoline_lowered:
0x8: {  	[smem:$0x3FA8] =	sst s0  }
0x9: {  	[smem:$0x3FA9] =	sst s1  }
0xa: {  	[smem:$0x3FAA] =	sst s2  }
0xb: {  	[smem:$0x3FAB] =	sst s3  }
0xc: {  	[smem:$0x3FAC] =	sst s4  }
0xd: {  	[smem:$0x3FAD] =	sst s5  }
0xe: {  	[smem:$0x3FAE] =	sst s6  }
0xf: {  	[smem:$0x3FAF] =	sst s7  }
0x10: {  	[smem:$0x3FB0] =	sst s8  }
0x11: {  	[smem:$0x3FB1] =	sst s9;
	s0 =	simm.s32 @!p0 $0x0  }
0x12: {  	s1 =	sld [smem:$0x3F97];
	s0 =	simm.s32 @p0 $0x1  }
0x13: {  	[smem:$0x3FB2] =	sst s0;
	s0 =	simm.s32 @!p1 $0x0  }
0x14: {  	s2 =	sld [smem:$0x3F96];
	s0 =	simm.s32 @p1 $0x1  }
0x15: {  	[smem:$0x3FB3] =	sst s0;
	s0 =	simm.s32 @!p2 $0x0  }
0x16: {  	s3 =	sld [smem:$0x3FDB];
	s0 =	simm.s32 @p2 $0x1  }
0x17: {  	s4 =	simm.s32 $0x1BF5;
	[smem:$0x3FB5] =	sst s0  }
0x18: {  	s0 =	sld [smem:$0x3F98];
	_ =	swait.ge [sflag:s4], $0x0  }
0x19: {  	s7 =	sld [smem:$0x3F99]  }
0x1a: {  	s8 =	sadd.s32 $0xFFFFE003, lr  }
0x1b: {  	s9 =	sadd.s32 $0xFFFFFEF7, lr;
	s5 =	simm.s32 $0xFFFFFFFF;
	p2 =	slt.u32 s8, $0xFFFFF086  }
0x1c: {  	p1 =	slt.u32 s9, $0xF7A;
	s5 =	simm.s32 @!p2 $0x0  }
0x1d: {  	s5 =	simm.s32 @p1 $0x1;
	p0 =	seq.s32 s7, s2  }
0x1e: {  	s7 =	smul.u32 @!p0 $0xF7A, s2;
	p2 =	seq.s32 @!p0 s5, $0x0  }
0x1f: {  	s9 =	smul.u32 $0xF7A, s1;
	s8 =	simm.s32 @!p0 $0x1BF5;
	p2 =	por !p2, p0  }
0x20: {  	[sflag:s8] =	ssyncset.s32 @!p0 $0xFFFFF086;
	s6 =	sadd.s32 @!p0 s3, s7;
	s7 =	simm.s32 @!p0 $0x108  }
0x21: {  	s3 =	sadd.s32 s3, s9;
	s6 =	sadd.s32 @!p0 $0x88, s6;
	s7 =	simm.s32 @p2 $0x1082  }
0x22: {  	[simem:s7], [sflag:s8] =	dma.local @!p0 [hbm:s6], $0xF7A  }
0x23: {  	s9 =	sor.u32 $0xD0000000, s2;
	s6 =	simm.s32 $0x108;
	_ =	swait.ge @!p0 [sflag:s8], $0x0  }
0x24: {  	s3 =	sadd.s32 $0x88, s3;
	s6 =	simm.s32 @!p1 $0x1082;
	[sflag:s4] =	ssyncset.s32 $0xFFFFF086  }
0x25: {  	[simem:s6], [sflag:s4] =	dma.local [hbm:s3], $0xF7A  }
0x26: {  	[smem:$0x3F99] =	sst s1;
	(tag) =	ssettag s2;
	_ =	strace s9  }
0x27: {  	s1 =	sld [smem:$0x3FA9]  }
0x28: {  	s2 =	sld [smem:$0x3FAA]  }
0x29: {  	s4 =	sld [smem:$0x3FAC]  }
0x2a: {  	p0 =	seq.s32 s5, $0x0;
	s5 =	sld [smem:$0x3FAD]  }
0x2b: {  	s6 =	sld [smem:$0x3FAE]  }
0x2c: {  	s7 =	sld [smem:$0x3FAF]  }
0x2d: {  	s3 =	simm.s32 $0x108;
	s8 =	sld [smem:$0x3FB0]  }
0x2e: {  	s3 =	simm.s32 @!p0 $0x1082;
	s9 =	sld [smem:$0x3FB1]  }
0x2f: {  	lr =	sadd.s32 s0, s3;
	s0 =	sld [smem:$0x3FA8]  }
0x30: {  	s3 =	sld [smem:$0x3FAB]  }
0x31: {  	[smem:$0x3FB4] =	sst s10  }
0x32: {  	s10 =	sld [smem:$0x3FB2];
	_ =	sdelay $0x3  }
0x33: {  	p0 =	seq.s32 s10, $0x1;
	s10 =	sld [smem:$0x3FB4];
	_ =	sdelay $0x3  }
0x34: {  	[smem:$0x3FB4] =	sst s10  }
0x35: {  	s10 =	sld [smem:$0x3FB3];
	_ =	sdelay $0x3  }
0x36: {  	p1 =	seq.s32 s10, $0x1;
	s10 =	sld [smem:$0x3FB4];
	_ =	sdelay $0x3  }
0x37: {  	[smem:$0x3FB4] =	sst s10  }
0x38: {  	s10 =	sld [smem:$0x3FB5]  }
0x39: {  	_ = 	snop;
	(pc) =	sbr.ind lr, $3  }
0x3a: {  	_ = 	snop  }
0x3b: {  	_ = 	snop  }
0x3c: {  	p2 =	seq.s32 s10, $0x1;
	s10 =	sld [smem:$0x3FB4]  }
0x3d: {  	_ =	shalt  }
0x3e: {  	_ =	shalt  }
0x3f: {  	_ =	shalt  }
0x40: {  	_ =	shalt  }
0x41: {  	_ =	shalt  }
0x42: {  	_ =	shalt  }
0x43: {  	_ =	shalt  }
0x44: {  	_ =	shalt  }
0x45: {  	_ =	shalt  }
0x46: {  	_ =	shalt  }
0x47: {  	_ =	shalt  }
0x48: {  	_ =	shalt  }
0x49: {  	_ =	shalt  }
0x4a: {  	_ =	shalt  }
0x4b: {  	_ =	shalt  }
0x4c: {  	_ =	shalt  }
0x4d: {  	_ =	shalt  }
0x4e: {  	_ =	shalt  }
0x4f: {  	_ =	shalt  }
0x50: {  	_ =	shalt  }
0x51: {  	_ =	shalt  }
0x52: {  	_ =	shalt  }
0x53: {  	_ =	shalt  }
0x54: {  	_ =	shalt  }
0x55: {  	_ =	shalt  }
0x56: {  	_ =	shalt  }
0x57: {  	_ =	shalt  }
0x58: {  	_ =	shalt  }
0x59: {  	_ =	shalt  }
0x5a: {  	_ =	shalt  }
0x5b: {  	_ =	shalt  }
0x5c: {  	_ =	shalt  }
0x5d: {  	_ =	shalt  }
0x5e: {  	_ =	shalt  }
0x5f: {  	_ =	shalt  }
0x60: {  	_ =	shalt  }
0x61: {  	_ =	shalt  }
0x62: {  	_ =	shalt  }
0x63: {  	_ =	shalt  }
0x64: {  	_ =	shalt  }
0x65: {  	_ =	shalt  }
0x66: {  	_ =	shalt  }
0x67: {  	_ =	shalt  }
0x68: {  	_ =	shalt  }
0x69: {  	_ =	shalt  }
0x6a: {  	_ =	shalt  }
0x6b: {  	_ =	shalt  }
0x6c: {  	_ =	shalt  }
0x6d: {  	_ =	shalt  }
0x6e: {  	_ =	shalt  }
0x6f: {  	_ =	shalt  }
0x70: {  	_ =	shalt  }
0x71: {  	_ =	shalt  }
0x72: {  	_ =	shalt  }
0x73: {  	_ =	shalt  }
0x74: {  	_ =	shalt  }
0x75: {  	_ =	shalt  }
0x76: {  	_ =	shalt  }
0x77: {  	_ =	shalt  }
0x78: {  	_ =	shalt  }
0x79: {  	_ =	shalt  }
0x7a: {  	_ =	shalt  }
0x7b: {  	_ =	shalt  }
0x7c: {  	_ =	shalt  }
0x7d: {  	_ =	shalt  }
0x7e: {  	_ =	shalt  }
0x7f: {  	_ =	shalt  }
0x80: {  	_ =	shalt  }
0x81: {  	_ =	shalt  }
0x82: {  	_ =	shalt  }
0x83: {  	_ =	shalt  }
0x84: {  	_ =	shalt  }
0x85: {  	_ =	shalt  }
0x86: {  	_ =	shalt  }
0x87: {  	_ =	shalt  }
.Lfunc_end0:
.L_simem_size_0:
called_computation_lowered:
.L_overlay_start_0:
0x88: {  	s2 =	sld [smem:$0x3FD9]  }
0x89: {  	s3 =	sld [smem:$0x3FFE];
	_ =	sdelay $0x1  }
0x8a: {  	s1 =	srdreg.scid  }
0x8b: {  	s0 =	sand.u32 $0x1, s1  }
0x8c: {  	s17 =	sshll.u32 s0, $0xA;
	s2 =	sadd.s32 s3, s2  }
0x8d: {  	s2 =	sadd.s32 s2, s17  }
0x8e: {  	[smem:$0x3FC0] =	sst s2  }
0x8f: {  	_ = 	snop  }
0x90: {  	s2 =	sld [smem:$0x3FC9]  }
0x91: {  	s18 =	sld [smem:$0x3FD0];
	(tm) =	ssettm $0x1  }
0x92: {  	s4 =	sld [smem:$0x3FFB];
	_ =	sdelay $0x3  }
0x93: {  	_ =	strace s4  }
0x94: {  	s4 =	sld [smem:$0x3FFC];
	_ =	sdelay $0x3  }
0x95: {  	_ =	strace s4  }
0x96: {  	s4 =	sld [smem:$0x3FFD];
	_ =	sdelay $0x3  }
0x97: {  	_ =	strace s4  }
0x98: {  	_ =	strace $0x8FFFFFFF  }
0x99: {  	s19 =	sld [smem:$0x3FDB];
	_ =	sdelay $0x1  }
0x9a: {  	s5 =	simm.s32 $_scs_section_size  }
0x9b: {  	s6 =	simm.s32 $_size__tile_overlayer_lowered;
	s7 =	simm.s32 $_tile_overlayer_lowered  }
0x9c: {  	s22 =	simm.s32 $0x1BFF;
	s21 =	sshll.u32 s7, $0x1;
	s4 =	sadd.s32 s5, s19  }
0x9d: {  	s8 =	simm.s32 $0x0;
	s20 =	sshll.u32 s6, $0x1;
	s6 =	sadd.s32 s21, s4  }
0x9e: {  	[timem:s8], [sflag:s22] =	dma.local [hbm:s6], s20  }
0x9f: {  	_ =	swait.ge [sflag:s22], s20  }
0xa0: {  	s5 =	ssub.s32 $0x0, s20;
	[sflag:s22] =	ssyncset.done $0x0  }
0xa1: {  	[sflag:s22] =	ssyncadd.s32 s5;
	_ =	sdelay $0x1  }
0xa2: {  	s23 =	simm.s32 $0x1B8B  }
0xa3: {  	_ =	swait.ge [sflag:s23], $0x1  }
0xa4: {  	[sflag:s23] =	ssyncset.done $0x0  }
0xa5: {  	s25 =	simm.s32 $0x1B8E;
	s24 =	sld [smem:$0x3FFE];
	[sflag:s23] =	ssyncadd.s32 $0xFFFFFFFF  }
0xa6: {  	s26 =	simm.s32 $execute0_lowered;
	[smem:$0x3FD2] =	sst s25  }
0xa7: {  	s6 =	sshll.u32 s26, $0x1;
	_ =	strace $0x80000046;
	[dreg:$0x1] =	wrdreg $0xFFFFFFFF  }
0xa8: {  	s28 =	simm.s32 $_size_execute0_lowered;
	s4 =	sadd.s32 s4, s6;
	[dreg:$0x0] =	wrdreg $0x0  }
0xa9: {  	s6 =	sshll.u32 s28, $0x1;
	[dreg:$0x2] =	wrdreg s4  }
0xaa: {  	[dreg:$0x3] =	wrdreg s6  }
0xab: {  	[dreg:$0x4] =	wrdreg $0xC0  }
0xac: {  	_ =	task [dreg:s8], $0x5FFFF  }
0xad: {  	[dreg:$0x1] =	wrdreg $0xFFFFFFFF  }
0xae: {  	[dreg:$0x0] =	wrdreg $0x60  }
0xaf: {  	[dreg:$0x2] =	wrdreg s2  }
0xb0: {  	[dreg:$0x3] =	wrdreg s18  }
0xb1: {  	[dreg:$0x4] =	wrdreg s24  }
0xb2: {  	[dreg:$0x5] =	wrdreg $0x9  }
0xb3: {  	_ =	task.clear_ibuf [dreg:s8], $0x6FFFF;
	_ =	strace $0x90000046  }
0xb4: {  	s29 =	simm.s32 $0x9;
	_ =	strace $0x80000048  }
0xb5: {  	_ =	swait.ge [sflag:s29], $0x1  }
0xb6: {  	[sflag:s29] =	ssyncadd.s32 $0xFFFFFFFF  }
0xb7: {  	_ =	strace $0x90000048  }
0xb8: {  	_ =	sfence  }
0xb9: {  	s30 =	sld [smem:$0x0];
	_ =	sdelay $0x2  }
0xba: {  	s31 =	sshll.u32 s1, $0xD;
	s1 =	sshrl.u32 s1, $0x2  }
0xbb: {  	s3 =	sand.u32 $0x4000, s31;
	s1 =	sadd.s32 s1, s30  }
0xbc: {  	s0 =	sor.u32 s3, s0;
	s1 =	sshll.u32 s1, $0x11  }
0xbd: {  	s0 =	sor.u32 s1, s0  }
0xbe: {  	s0 =	sadd.s32 $0x8F2B, s0  }
0xbf: {  	[sflag:s0] =	ssyncadd.remote.s32 $0x1  }
0xc0: {  	_ =	sfence.sel $0xFFFF  }
0xc1: {  	[dreg:$0x0] =	wrdreg $0xFFFFFFFF;
	(pc) =	sbr.abs _section_cstart, $3  }
0xc2: {  	[dreg:$0x1] =	wrdreg $0xFFFFFFFF  }
0xc3: {  	_ =	task.clear_ibuf [dreg:s8], $0x2FFFF;
	_ =	strace $0x9FFFFFFF  }
0xc4: {  	(tm) =	ssettm $0x7FFFFFFF  }
0xc5: {  	_ =	shalt  }
tec
execute0_lowered:
.L_overlay_start_1:
0x0: {  	(tag) =	ssettag $0x1  }
0x1: {  	s1 =	rddreg [dreg:$0x0]  }
0x2: {  	s2 =	srdreg.scid;
	s4 =	rddreg [dreg:$0x1]  }
0x3: {  	s0 =	stileid.u32;
	s5 =	rddreg [dreg:$0x2]  }
0x4: {  	s3 =	simm.s32 $0x0;
	s14 =	simm.s32 $0x1;
	s15 =	simm.s32 $0x2  }
0x5: {  	s16 =	simm.s32 $0x1380;
	s17 =	simm.s32 $0x0;
	s10 =	smul.u32 $0x50, s0  }
0x6: {  	s7 =	sand.u32 $0x1, s2;
	s2 =	rddreg [dreg:$0x3];
	s29 =	smul.u32 $0x28000, s0  }
0x7: {  	s24 =	sshll.u32 s0, $0x1;
	[smem:$0x7FF] =	sst s3;
	s12 =	smul.u32 $0x28, s7  }
0x8: {  	s13 =	sadd.s32 $0x1A00, s5;
	s6 =	sor.u32 s7, s24;
	s30 =	smul.u32 $0x14000, s7  }
0x9: {  	s9 =	ssub.s32 $0x2, s7;
	_ =	strace $0x80000047;
	s8 =	smul.u32 $0x280, s6  }
0xa: {  	s11 =	sshrl.u32 s9, $0x1;
	s6 =	smul.u32 $0x14000, s6;
	s31 =	sadd.s32 s29, s13  }
0xb: {  	s25 =	ssub.s32 s9, s11;
	s26 =	sadd.s32 s12, s10;
	s9 =	sadd.s32 s30, s31  }
0xc: {  	s10 =	simm.s32 $0x3;
	s11 =	simm.s32 $0x1400;
	s12 =	simm.s32 $0x80  }
0xd: {  	s4 =	sadd.s32 s4, s8;
	s28 =	sadd.s32 s13, s6;
	s8 =	sshll.u32 s26, $0xB  }
0xe: {  	s5 =	smax.u32 s25, $0x1;
	s6 =	sadd.s32 $0x13000, s28;
	s8 =	sadd.s32 s8, s13  }
0xf: {  	s7 =	sadd.s32 $0x13800, s28;
	s13 =	simm.s32 $0x5400;
	s8 =	sadd.s32 $0x800, s8  }
.LBB2_1:
0x10: {  	[tilespmem:s3], [sflag:$0x3] =	stream.linear.gather [hbm4b:s4+s3], $0x1400, $0x38;
	[tilespmem:$0x9400] =	vst v63  }
0x11: {  	_ =	swait.ge [sflag:s10], $0x1400  }
0x12: {  	[sflag:s10] =	ssyncset.done $0x0  }
0x13: {  	[sflag:s10] =	ssyncadd.s32 $0xFFFFEC00  }
0x14: {  	[tilespmem:s11], [sflag:$0x1] =	stream.indirect.gather [hbm4b:s1+s12], $0x80, s3, s12, $0xb8;
	[tilespmem:$0x9400] =	vst v63  }
0x15: {  	_ = 	snop  }
0x16: {  	[tilespmem:s13], [sflag:$0x2] =	stream.indirect.gather [hbm4b:s1+s12], $0x80, s12, s12, $0xb8;
	[tilespmem:$0x9400] =	vst v63  }
0x17: {  	_ =	swait.ge [sflag:s14], $0x4000  }
0x18: {  	[sflag:s14] =	ssyncset.done $0x0  }
0x19: {  	s18 =	sadd.s32 $0x0, s9;
	[sflag:s14] =	ssyncadd.s32 $0xFFFFC000  }
0x1a: {  	[hbm4b:s18+s3] =	stream.linear.scatter [tilespmem:s11], [sflag:$0x3], $0x4000, $0x38;
	[tilespmem:$0x9400] =	vst v63  }
0x1b: {  	_ =	swait.ge [sflag:s10], $0x4000  }
0x1c: {  	[sflag:s10] =	ssyncset.done $0x0  }
0x1d: {  	s30 =	simm.s32 $0x100;
	[sflag:s10] =	ssyncadd.s32 $0xFFFFC000  }
0x1e: {  	[tilespmem:s11], [sflag:$0x1] =	stream.indirect.gather [hbm4b:s1+s12], $0x80, s30, s12, $0xb8;
	[tilespmem:$0x9400] =	vst v63  }
0x1f: {  	_ =	swait.ge [sflag:s15], $0x4000  }
0x20: {  	[sflag:s15] =	ssyncset.done $0x0  }
0x21: {  	s31 =	sadd.s32 $0x0, s8;
	[sflag:s15] =	ssyncadd.s32 $0xFFFFC000  }
0x22: {  	[hbm4b:s31+s3] =	stream.linear.scatter [tilespmem:s13], [sflag:$0x3], $0x4000, $0x38;
	[tilespmem:$0x9400] =	vst v63  }
0x23: {  	_ =	swait.ge [sflag:s10], $0x4000  }
0x24: {  	s19 =	simm.s32 $0x80;
	s18 =	simm.s32 $0x1000;
	[sflag:s10] =	ssyncset.done $0x0  }
.LBB2_2:
0x25: {  	p0 =	sne.s32 s18, $0x12000;
	[sflag:s10] =	ssyncadd.s32 $0xFFFFC000;
	s19 =	sadd.s32 $0x100, s19  }
0x26: {  	[tilespmem:s13], [sflag:$0x2] =	stream.indirect.gather [hbm4b:s1+s12], $0x80, s19, s12, $0xb8;
	[tilespmem:$0x9400] =	vst v63  }
0x27: {  	s20 =	smov.u32 s18;
	s18 =	sadd.s32 $0x1000, s18;
	_ =	swait.ge [sflag:s14], $0x4000  }
0x28: {  	[sflag:s14] =	ssyncset.done $0x0  }
0x29: {  	s21 =	sadd.s32 s20, s9;
	[sflag:s14] =	ssyncadd.s32 $0xFFFFC000  }
0x2a: {  	[hbm4b:s21+s3] =	stream.linear.scatter [tilespmem:s11], [sflag:$0x3], $0x4000, $0x38;
	[tilespmem:$0x9400] =	vst v63  }
0x2b: {  	_ =	swait.ge [sflag:s10], $0x4000  }
0x2c: {  	[sflag:s10] =	ssyncset.done $0x0  }
0x2d: {  	s21 =	sadd.s32 $0x80, s19;
	[sflag:s10] =	ssyncadd.s32 $0xFFFFC000  }
0x2e: {  	[tilespmem:s11], [sflag:$0x1] =	stream.indirect.gather [hbm4b:s1+s12], $0x80, s21, s12, $0xb8;
	[tilespmem:$0x9400] =	vst v63  }
0x2f: {  	_ =	swait.ge [sflag:s15], $0x4000  }
.Ltmp0:
0x30: {  	[sflag:s15] =	ssyncset.done $0x0;
	(pc) =	sbr.rel @p0 .LBB2_2-.Ltmp0, $4  }
0x31: {  	s20 =	sadd.s32 s20, s8;
	[sflag:s15] =	ssyncadd.s32 $0xFFFFC000  }
0x32: {  	[hbm4b:s20+s3] =	stream.linear.scatter [tilespmem:s13], [sflag:$0x3], $0x4000, $0x38;
	[tilespmem:$0x9400] =	vst v63  }
0x33: {  	_ =	swait.ge [sflag:s10], $0x4000  }
0x34: {  	[sflag:s10] =	ssyncset.done $0x0  }
0x35: {  	[sflag:s10] =	ssyncadd.s32 $0xFFFFC000  }
0x36: {  	[tilespmem:s13], [sflag:$0x2] =	stream.indirect.gather [hbm4b:s1+s12], $0x80, s16, s12, $0xb8;
	[tilespmem:$0x9400] =	vst v63  }
0x37: {  	_ =	swait.ge [sflag:s14], $0x4000  }
0x38: {  	[sflag:s14] =	ssyncset.done $0x0  }
0x39: {  	[sflag:s14] =	ssyncadd.s32 $0xFFFFC000  }
0x3a: {  	[hbm4b:s6+s3] =	stream.linear.scatter [tilespmem:s11], [sflag:$0x3], $0x4000, $0x38;
	[tilespmem:$0x9400] =	vst v63  }
0x3b: {  	_ =	swait.ge [sflag:s10], $0x4000  }
0x3c: {  	[sflag:s10] =	ssyncset.done $0x0  }
0x3d: {  	[sflag:s10] =	ssyncadd.s32 $0xFFFFC000  }
0x3e: {  	s17 =	sadd.s32 $0x1, s17;
	_ =	swait.ge [sflag:s15], $0x4000  }
0x3f: {  	p0 =	sne.s32 s17, s5;
	[sflag:s15] =	ssyncset.done $0x0  }
.Ltmp1:
0x40: {  	[sflag:s15] =	ssyncadd.s32 $0xFFFFC000;
	(pc) =	sbr.rel @p0 .LBB2_1-.Ltmp1, $4  }
0x41: {  	[hbm4b:s7+s3] =	stream.linear.scatter [tilespmem:s13], [sflag:$0x3], $0x4000, $0x38;
	[tilespmem:$0x9400] =	vst v63  }
0x42: {  	_ =	swait.ge [sflag:s10], $0x4000  }
0x43: {  	[sflag:s10] =	ssyncset.done $0x0  }
0x44: {  	[sflag:s10] =	ssyncadd.s32 $0xFFFFC000  }
0x45: {  	_ =	sfence.sel $0x180000  }
0x46: {  	[bflag:$0x0] =	sbarrier.arrive $0xFFFF  }
0x47: {  	p0 =	sne.s32 s0, $0x0;
	_ =	strace $0x90000047  }
0x48: {  	s0 =	sadd.s32 @!p0 $0x100000, s2;
	[bflag:$0x2] =	sbarrier.arrive $0xFFFF  }
0x49: {  	[sflag:s0] =	ssyncadd.tile.s32 @!p0 $0x1;
	_ =	shalt  }
.Lfunc_end2:
_tile_overlayer_lowered:
.L_overlay_start_2:
0x4a: {  	(tag) =	ssettag $0x2  }
0x4b: {  	s0 =	rddreg [dreg:$0x0];
	s2 =	stileid.u32  }
0x4c: {  	s1 =	rddreg [dreg:$0x1];
	p0 =	sne.s32 s2, $0x0  }
0x4d: {  	s3 =	rddreg [dreg:$0x2];
	[bflag:$0x3] =	sbarrier.arrive $0xFFFF;
	s2 =	simm.s32 @!p0 $0x1C03  }
0x4e: {  	[timem:s3], [sflag:s2] =	dma.local @!p0 [hbm:s0], s1  }
0x4f: {  	s0 =	simm.s32 @!p0 $0x3  }
0x50: {  	_ =	swait.ge @!p0 [sflag:s0], s1  }
0x51: {  	s1 =	ssub.s32 @!p0 $0x0, s1;
	[sflag:s0] =	ssyncset.done @!p0 $0x0  }
0x52: {  	[sflag:s0] =	ssyncadd.s32 @!p0 s1  }
0x53: {  	[bflag:$0x3] =	sbarrier.arrive $0xFFFF  }
0x54: {  	_ =	shalt  }

// kernel: kernel.8.cloned.1.call-start
scs
__scs_entry_jumppad:
0x0: {  	(pc) =	sbr.rel $0x88, $3  }
0x1: {  	(tag) =	ssettag $0x0;
	lr =	simm.s32 $0x1  }
0x2: {  	[smem:$0x3F99] =	sst lr;
	_ =	strace $0xD0000000  }
0x3: {  	_ = 	snop  }
0x4: {  	_ = 	snop  }
0x5: {  	_ = 	snop  }
0x6: {  	_ = 	snop  }
0x7: {  	_ = 	snop  }
__scs_overlays_trampoline_lowered:
0x8: {  	[smem:$0x3FA8] =	sst s0  }
0x9: {  	[smem:$0x3FA9] =	sst s1  }
0xa: {  	[smem:$0x3FAA] =	sst s2  }
0xb: {  	[smem:$0x3FAB] =	sst s3  }
0xc: {  	[smem:$0x3FAC] =	sst s4  }
0xd: {  	[smem:$0x3FAD] =	sst s5  }
0xe: {  	[smem:$0x3FAE] =	sst s6  }
0xf: {  	[smem:$0x3FAF] =	sst s7  }
0x10: {  	[smem:$0x3FB0] =	sst s8  }
0x11: {  	[smem:$0x3FB1] =	sst s9;
	s0 =	simm.s32 @!p0 $0x0  }
0x12: {  	s1 =	sld [smem:$0x3F97];
	s0 =	simm.s32 @p0 $0x1  }
0x13: {  	[smem:$0x3FB2] =	sst s0;
	s0 =	simm.s32 @!p1 $0x0  }
0x14: {  	s2 =	sld [smem:$0x3F96];
	s0 =	simm.s32 @p1 $0x1  }
0x15: {  	[smem:$0x3FB3] =	sst s0;
	s0 =	simm.s32 @!p2 $0x0  }
0x16: {  	s3 =	sld [smem:$0x3FDB];
	s0 =	simm.s32 @p2 $0x1  }
0x17: {  	s4 =	simm.s32 $0x1BF5;
	[smem:$0x3FB5] =	sst s0  }
0x18: {  	s0 =	sld [smem:$0x3F98];
	_ =	swait.ge [sflag:s4], $0x0  }
0x19: {  	s7 =	sld [smem:$0x3F99]  }
0x1a: {  	s8 =	sadd.s32 $0xFFFFE003, lr  }
0x1b: {  	s9 =	sadd.s32 $0xFFFFFEF7, lr;
	s5 =	simm.s32 $0xFFFFFFFF;
	p2 =	slt.u32 s8, $0xFFFFF086  }
0x1c: {  	p1 =	slt.u32 s9, $0xF7A;
	s5 =	simm.s32 @!p2 $0x0  }
0x1d: {  	s5 =	simm.s32 @p1 $0x1;
	p0 =	seq.s32 s7, s2  }
0x1e: {  	s7 =	smul.u32 @!p0 $0xF7A, s2;
	p2 =	seq.s32 @!p0 s5, $0x0  }
0x1f: {  	s9 =	smul.u32 $0xF7A, s1;
	s8 =	simm.s32 @!p0 $0x1BF5;
	p2 =	por !p2, p0  }
0x20: {  	[sflag:s8] =	ssyncset.s32 @!p0 $0xFFFFF086;
	s6 =	sadd.s32 @!p0 s3, s7;
	s7 =	simm.s32 @!p0 $0x108  }
0x21: {  	s3 =	sadd.s32 s3, s9;
	s6 =	sadd.s32 @!p0 $0x88, s6;
	s7 =	simm.s32 @p2 $0x1082  }
0x22: {  	[simem:s7], [sflag:s8] =	dma.local @!p0 [hbm:s6], $0xF7A  }
0x23: {  	s9 =	sor.u32 $0xD0000000, s2;
	s6 =	simm.s32 $0x108;
	_ =	swait.ge @!p0 [sflag:s8], $0x0  }
0x24: {  	s3 =	sadd.s32 $0x88, s3;
	s6 =	simm.s32 @!p1 $0x1082;
	[sflag:s4] =	ssyncset.s32 $0xFFFFF086  }
0x25: {  	[simem:s6], [sflag:s4] =	dma.local [hbm:s3], $0xF7A  }
0x26: {  	[smem:$0x3F99] =	sst s1;
	(tag) =	ssettag s2;
	_ =	strace s9  }
0x27: {  	s1 =	sld [smem:$0x3FA9]  }
0x28: {  	s2 =	sld [smem:$0x3FAA]  }
0x29: {  	s4 =	sld [smem:$0x3FAC]  }
0x2a: {  	p0 =	seq.s32 s5, $0x0;
	s5 =	sld [smem:$0x3FAD]  }
0x2b: {  	s6 =	sld [smem:$0x3FAE]  }
0x2c: {  	s7 =	sld [smem:$0x3FAF]  }
0x2d: {  	s3 =	simm.s32 $0x108;
	s8 =	sld [smem:$0x3FB0]  }
0x2e: {  	s3 =	simm.s32 @!p0 $0x1082;
	s9 =	sld [smem:$0x3FB1]  }
0x2f: {  	lr =	sadd.s32 s0, s3;
	s0 =	sld [smem:$0x3FA8]  }
0x30: {  	s3 =	sld [smem:$0x3FAB]  }
0x31: {  	[smem:$0x3FB4] =	sst s10  }
0x32: {  	s10 =	sld [smem:$0x3FB2];
	_ =	sdelay $0x3  }
0x33: {  	p0 =	seq.s32 s10, $0x1;
	s10 =	sld [smem:$0x3FB4];
	_ =	sdelay $0x3  }
0x34: {  	[smem:$0x3FB4] =	sst s10  }
0x35: {  	s10 =	sld [smem:$0x3FB3];
	_ =	sdelay $0x3  }
0x36: {  	p1 =	seq.s32 s10, $0x1;
	s10 =	sld [smem:$0x3FB4];
	_ =	sdelay $0x3  }
0x37: {  	[smem:$0x3FB4] =	sst s10  }
0x38: {  	s10 =	sld [smem:$0x3FB5]  }
0x39: {  	_ = 	snop;
	(pc) =	sbr.ind lr, $3  }
0x3a: {  	_ = 	snop  }
0x3b: {  	_ = 	snop  }
0x3c: {  	p2 =	seq.s32 s10, $0x1;
	s10 =	sld [smem:$0x3FB4]  }
0x3d: {  	_ =	shalt  }
0x3e: {  	_ =	shalt  }
0x3f: {  	_ =	shalt  }
0x40: {  	_ =	shalt  }
0x41: {  	_ =	shalt  }
0x42: {  	_ =	shalt  }
0x43: {  	_ =	shalt  }
0x44: {  	_ =	shalt  }
0x45: {  	_ =	shalt  }
0x46: {  	_ =	shalt  }
0x47: {  	_ =	shalt  }
0x48: {  	_ =	shalt  }
0x49: {  	_ =	shalt  }
0x4a: {  	_ =	shalt  }
0x4b: {  	_ =	shalt  }
0x4c: {  	_ =	shalt  }
0x4d: {  	_ =	shalt  }
0x4e: {  	_ =	shalt  }
0x4f: {  	_ =	shalt  }
0x50: {  	_ =	shalt  }
0x51: {  	_ =	shalt  }
0x52: {  	_ =	shalt  }
0x53: {  	_ =	shalt  }
0x54: {  	_ =	shalt  }
0x55: {  	_ =	shalt  }
0x56: {  	_ =	shalt  }
0x57: {  	_ =	shalt  }
0x58: {  	_ =	shalt  }
0x59: {  	_ =	shalt  }
0x5a: {  	_ =	shalt  }
0x5b: {  	_ =	shalt  }
0x5c: {  	_ =	shalt  }
0x5d: {  	_ =	shalt  }
0x5e: {  	_ =	shalt  }
0x5f: {  	_ =	shalt  }
0x60: {  	_ =	shalt  }
0x61: {  	_ =	shalt  }
0x62: {  	_ =	shalt  }
0x63: {  	_ =	shalt  }
0x64: {  	_ =	shalt  }
0x65: {  	_ =	shalt  }
0x66: {  	_ =	shalt  }
0x67: {  	_ =	shalt  }
0x68: {  	_ =	shalt  }
0x69: {  	_ =	shalt  }
0x6a: {  	_ =	shalt  }
0x6b: {  	_ =	shalt  }
0x6c: {  	_ =	shalt  }
0x6d: {  	_ =	shalt  }
0x6e: {  	_ =	shalt  }
0x6f: {  	_ =	shalt  }
0x70: {  	_ =	shalt  }
0x71: {  	_ =	shalt  }
0x72: {  	_ =	shalt  }
0x73: {  	_ =	shalt  }
0x74: {  	_ =	shalt  }
0x75: {  	_ =	shalt  }
0x76: {  	_ =	shalt  }
0x77: {  	_ =	shalt  }
0x78: {  	_ =	shalt  }
0x79: {  	_ =	shalt  }
0x7a: {  	_ =	shalt  }
0x7b: {  	_ =	shalt  }
0x7c: {  	_ =	shalt  }
0x7d: {  	_ =	shalt  }
0x7e: {  	_ =	shalt  }
0x7f: {  	_ =	shalt  }
0x80: {  	_ =	shalt  }
0x81: {  	_ =	shalt  }
0x82: {  	_ =	shalt  }
0x83: {  	_ =	shalt  }
0x84: {  	_ =	shalt  }
0x85: {  	_ =	shalt  }
0x86: {  	_ =	shalt  }
0x87: {  	_ =	shalt  }
.Lfunc_end0:
.L_simem_size_0:
called_computation.1_lowered:
.L_overlay_start_0:
0x88: {  	s2 =	sld [smem:$0x3FD9]  }
0x89: {  	s3 =	sld [smem:$0x3FFE];
	_ =	sdelay $0x1  }
0x8a: {  	s1 =	srdreg.scid  }
0x8b: {  	s0 =	sand.u32 $0x1, s1  }
0x8c: {  	s17 =	sshll.u32 s0, $0xA;
	s2 =	sadd.s32 s3, s2  }
0x8d: {  	s2 =	sadd.s32 s2, s17  }
0x8e: {  	[smem:$0x3FC0] =	sst s2  }
0x8f: {  	_ = 	snop  }
0x90: {  	s2 =	sld [smem:$0x3FD0];
	(tm) =	ssettm $0x1  }
0x91: {  	s18 =	sld [smem:$0x3FFB];
	_ =	sdelay $0x3  }
0x92: {  	_ =	strace s18  }
0x93: {  	s3 =	sld [smem:$0x3FFC];
	_ =	sdelay $0x3  }
0x94: {  	_ =	strace s3  }
0x95: {  	s3 =	sld [smem:$0x3FFD];
	_ =	sdelay $0x3  }
0x96: {  	_ =	strace s3  }
0x97: {  	_ =	strace $0x8FFFFFFF  }
0x98: {  	s19 =	sld [smem:$0x3FDB];
	_ =	sdelay $0x1  }
0x99: {  	s4 =	simm.s32 $_scs_section_size  }
0x9a: {  	s5 =	simm.s32 $_size__tile_overlayer_lowered;
	s6 =	simm.s32 $_tile_overlayer_lowered  }
0x9b: {  	s22 =	simm.s32 $0x1BFF;
	s21 =	sshll.u32 s6, $0x1;
	s3 =	sadd.s32 s4, s19  }
0x9c: {  	s7 =	simm.s32 $0x0;
	s20 =	sshll.u32 s5, $0x1;
	s5 =	sadd.s32 s21, s3  }
0x9d: {  	[timem:s7], [sflag:s22] =	dma.local [hbm:s5], s20  }
0x9e: {  	_ =	swait.ge [sflag:s22], s20  }
0x9f: {  	s4 =	ssub.s32 $0x0, s20;
	[sflag:s22] =	ssyncset.done $0x0  }
0xa0: {  	[sflag:s22] =	ssyncadd.s32 s4;
	_ =	sdelay $0x1  }
0xa1: {  	s23 =	simm.s32 $0x1B8B  }
0xa2: {  	_ =	swait.ge [sflag:s23], $0x1  }
0xa3: {  	[sflag:s23] =	ssyncset.done $0x0  }
0xa4: {  	s25 =	simm.s32 $0x1B8E;
	s24 =	sld [smem:$0x3FFE];
	[sflag:s23] =	ssyncadd.s32 $0xFFFFFFFF  }
0xa5: {  	s26 =	simm.s32 $execute0_lowered;
	[smem:$0x3FD2] =	sst s25  }
0xa6: {  	s5 =	sshll.u32 s26, $0x1;
	_ =	strace $0x80000049;
	[dreg:$0x1] =	wrdreg $0xFFFFFFFF  }
0xa7: {  	s28 =	simm.s32 $_size_execute0_lowered;
	s3 =	sadd.s32 s3, s5;
	[dreg:$0x0] =	wrdreg $0x0  }
0xa8: {  	s5 =	sshll.u32 s28, $0x1;
	[dreg:$0x2] =	wrdreg s3  }
0xa9: {  	[dreg:$0x3] =	wrdreg s5  }
0xaa: {  	[dreg:$0x4] =	wrdreg $0xC0  }
0xab: {  	_ =	task [dreg:s7], $0x5FFFF  }
0xac: {  	[dreg:$0x1] =	wrdreg $0xFFFFFFFF  }
0xad: {  	[dreg:$0x0] =	wrdreg $0x60  }
0xae: {  	[dreg:$0x2] =	wrdreg s24  }
0xaf: {  	[dreg:$0x3] =	wrdreg s2  }
0xb0: {  	[dreg:$0x4] =	wrdreg $0xB0000  }
0xb1: {  	[dreg:$0x5] =	wrdreg $0x9  }
0xb2: {  	_ =	task.clear_ibuf [dreg:s7], $0x6FFFF;
	_ =	strace $0x90000049  }
0xb3: {  	s29 =	simm.s32 $0x9;
	_ =	strace $0x8000004B  }
0xb4: {  	_ =	swait.ge [sflag:s29], $0x1  }
0xb5: {  	[sflag:s29] =	ssyncadd.s32 $0xFFFFFFFF  }
0xb6: {  	_ =	strace $0x9000004B  }
0xb7: {  	_ =	sfence  }
0xb8: {  	s30 =	sld [smem:$0x0];
	_ =	sdelay $0x2  }
0xb9: {  	s31 =	sshll.u32 s1, $0xD;
	s1 =	sshrl.u32 s1, $0x2  }
0xba: {  	s3 =	sand.u32 $0x4000, s31;
	s1 =	sadd.s32 s1, s30  }
0xbb: {  	s0 =	sor.u32 s3, s0;
	s1 =	sshll.u32 s1, $0x11  }
0xbc: {  	s0 =	sor.u32 s1, s0  }
0xbd: {  	s0 =	sadd.s32 $0x8F2B, s0  }
0xbe: {  	[sflag:s0] =	ssyncadd.remote.s32 $0x1  }
0xbf: {  	_ =	sfence.sel $0xFFFF  }
0xc0: {  	[dreg:$0x0] =	wrdreg $0xFFFFFFFF;
	(pc) =	sbr.abs _section_cstart, $3  }
0xc1: {  	[dreg:$0x1] =	wrdreg $0xFFFFFFFF  }
0xc2: {  	_ =	task.clear_ibuf [dreg:s7], $0x2FFFF;
	_ =	strace $0x9FFFFFFF  }
0xc3: {  	(tm) =	ssettm $0x7FFFFFFF  }
tec
execute0_lowered:
.L_overlay_start_1:
0x0: {  	(tag) =	ssettag $0x1  }
0x1: {  	s3 =	stileid.u32  }
0x2: {  	s4 =	smul.u32 $0x2780, s3  }
0x3: {  	s0 =	rddreg [dreg:$0x0];
	s9 =	smul.u32 $0x4E, s3  }
0x4: {  	s2 =	rddreg [dreg:$0x1];
	s20 =	smul.u32 $0x4E0, s3  }
0x5: {  	s1 =	rddreg [dreg:$0x2];
	s23 =	simm.s32 $0x0;
	s15 =	smul.u32 $0x618000, s3  }
0x6: {  	s5 =	srdreg.scid;
	s29 =	simm.s32 $0x5;
	s22 =	smul.u32 $0x4F000, s3  }
0x7: {  	s30 =	simm.s32 $0x400;
	s6 =	sand.u32 $0x1, s5;
	s17 =	smul.u32 $0x27, s3  }
0x8: {  	s31 =	simm.s32 $0x1400;
	s10 =	sadd.s32 $0x286C00, s0;
	s12 =	smul.u32 $0xC00, s6  }
0x9: {  	[smem:$0x7FF] =	sst s23;
	s14 =	sadd.s32 $0x281A00, s0;
	s24 =	smul.u32 $0x271, s6  }
0xa: {  	p2 =	seq.s32 s3, $0xF;
	_ =	strace $0x8000004A;
	s26 =	smul.u32 $0x180, s6  }
0xb: {  	s7 =	ssub.s32 $0x2, s6;
	s19 =	smul.u32 $0x61A800, s6;
	p0 =	seq.s32 s6, $0x1  }
0xc: {  	s8 =	sadd.s32 s4, s0;
	s21 =	sshrl.u32 s7, $0x1;
	s11 =	sand.u32 $0x6, s9  }
0xd: {  	s5 =	sand.u32 $0x7F80, s20;
	s4 =	sshrl.u32 s22, $0x2;
	s7 =	ssub.s32 s7, s21  }
0xe: {  	s16 =	sor.u32 s12, s15;
	s5 =	sadd.s32 s14, s5;
	s18 =	sadd.s32 $0x270, s24  }
0xf: {  	s21 =	sadd.s32 $0x400, s12;
	s13 =	sshrl.u32 s16, $0x3;
	[dreg:$0x4] =	wrdreg s5  }
0x10: {  	s5 =	sadd.s32 s4, s1;
	s28 =	sshll.u32 s18, $0x4;
	s20 =	sor.u32 s15, s21  }
0x11: {  	s22 =	smul.u32 $0x2800, s18;
	s4 =	sadd.s32 s26, s10;
	s26 =	sadd.s32 $0x286D00, s0  }
0x12: {  	s25 =	sadd.s32 s10, s13;
	s13 =	sadd.s32 s17, s24;
	s17 =	sand.u32 $0x7F80, s28  }
0x13: {  	s24 =	sadd.s32 s19, s10;
	s28 =	sadd.s32 $0x14000, s15;
	s9 =	sshll.u32 s13, $0x4  }
0x14: {  	s15 =	sadd.s32 $0x28000, s15;
	[dreg:$0x5] =	wrdreg s25;
	s9 =	sand.u32 $0x7F80, s9  }
0x15: {  	s25 =	smul.u32 $0x2800, s13;
	s18 =	sor.u32 s12, s28;
	s9 =	sadd.s32 s14, s9  }
0x16: {  	s14 =	sadd.s32 s14, s17;
	s17 =	smul.u32 $0x61800, s3;
	[dreg:$0x6] =	wrdreg s9  }
0x17: {  	s19 =	sor.u32 s12, s15;
	[dreg:$0x7] =	wrdreg s14;
	s14 =	sshrl.u32 s20, $0x3  }
0x18: {  	s20 =	sshrl.u32 s19, $0x3;
	s19 =	sadd.s32 $0x50400, s16;
	s9 =	sadd.s32 s17, s24  }
0x19: {  	s14 =	sadd.s32 s10, s14;
	s17 =	sadd.s32 s22, s26;
	s24 =	sadd.s32 s25, s26  }
0x1a: {  	s22 =	sadd.s32 s25, s10;
	s25 =	sor.u32 s21, s15;
	[dreg:$0x8] =	wrdreg s14  }
0x1b: {  	s26 =	sadd.s32 $0x50000, s16;
	[dreg:$0x9] =	wrdreg s17;
	s17 =	sshrl.u32 s18, $0x3  }
0x1c: {  	s14 =	sor.u32 s21, s28;
	s28 =	sadd.s32 $0x3C000, s16;
	s15 =	sshrl.u32 s26, $0x3  }
0x1d: {  	s26 =	sshrl.u32 s12, $0x3;
	s22 =	sadd.s32 $0x5F100, s22;
	[dreg:$0xa] =	wrdreg s24  }
0x1e: {  	s17 =	sadd.s32 s10, s17;
	s14 =	sshrl.u32 s14, $0x3;
	[dreg:$0x18] =	wrdreg s22  }
0x1f: {  	s18 =	sshrl.u32 s28, $0x3;
	s22 =	sadd.s32 $0x2800, s24;
	[dreg:$0xb] =	wrdreg s17  }
0x20: {  	s17 =	sadd.s32 s10, s20;
	s14 =	sadd.s32 s10, s14;
	[smem:$0x7FA] =	sst s22  }
0x21: {  	s18 =	sadd.s32 s18, s10;
	s20 =	sadd.s32 $0x3C400, s16;
	[dreg:$0xc] =	wrdreg s17  }
0x22: {  	s16 =	smul.u32 $0x62C00, s3;
	[dreg:$0xd] =	wrdreg s14;
	s14 =	sshrl.u32 s25, $0x3  }
0x23: {  	s17 =	sadd.s32 s15, s10;
	s25 =	sshrl.u32 s20, $0x3;
	s14 =	sadd.s32 s10, s14  }
0x24: {  	s20 =	sadd.s32 s25, s10;
	s25 =	sadd.s32 $0xC30080, s4;
	[dreg:$0xe] =	wrdreg s14  }
0x25: {  	s15 =	sadd.s32 s2, s26;
	s4 =	sadd.s32 $0xC32880, s4;
	[dreg:$0x12] =	wrdreg s25  }
0x26: {  	s12 =	sadd.s32 s12, s16;
	s14 =	sshrl.u32 s19, $0x3;
	[dreg:$0x13] =	wrdreg s4  }
0x27: {  	s25 =	sadd.s32 $0x28C00, s8;
	s19 =	sadd.s32 s14, s10;
	s10 =	sadd.s32 s26, s10  }
0x28: {  	s14 =	sshrl.u32 s12, $0x3;
	s12 =	sadd.s32 $0xB9300, s15;
	[dreg:$0x1c] =	wrdreg s25  }
0x29: {  	s21 =	sadd.s32 s21, s16;
	s28 =	sadd.s32 $0xC30000, s10;
	[dreg:$0x16] =	wrdreg s12  }
0x2a: {  	s26 =	sshrl.u32 s21, $0x3;
	s10 =	sadd.s32 $0xC32800, s10;
	[dreg:$0xf] =	wrdreg s28  }
0x2b: {  	p1 =	sne.s32 s6, $0x0;
	s4 =	sadd.s32 s2, s26;
	[dreg:$0x10] =	wrdreg s10  }
0x2c: {  	s22 =	simm.s32 $0x1;
	s26 =	sadd.s32 $0x286800, s0;
	[dreg:$0x14] =	wrdreg s4  }
0x2d: {  	s21 =	sshrl.u32 s16, $0x3;
	s10 =	sadd.s32 s2, s14;
	[dreg:$0x1d] =	wrdreg s26  }
0x2e: {  	s28 =	sadd.s32 $0xB9280, s15;
	s14 =	sshll.u32 s6, $0x7;
	[dreg:$0x11] =	wrdreg s10  }
0x2f: {  	s6 =	sadd.s32 $0x1A00, s8;
	s8 =	sadd.s32 $0x26A80, s0;
	[dreg:$0x15] =	wrdreg s28  }
0x30: {  	s16 =	sadd.s32 $0x128400, s1;
	s0 =	sadd.s32 $0x4DC80, s0;
	[dreg:$0x1e] =	wrdreg s8  }
0x31: {  	s15 =	sand.u32 $0x7, s13;
	s13 =	smax.u32 s7, $0x1;
	[dreg:$0x1f] =	wrdreg s0  }
0x32: {  	s26 =	sadd.s32 $0x5000, s24;
	s7 =	simm.s32 $0x80;
	[smem:$0x7F4] =	sst s13  }
0x33: {  	s24 =	simm.s32 $0x4;
	s4 =	sor.u32 $0x2C00, s14;
	[smem:$0x7FC] =	sst s26  }
0x34: {  	s10 =	sshll.u32 s15, $0x7;
	s14 =	sshll.u32 s11, $0x7;
	[dreg:$0x17] =	wrdreg s4  }
0x35: {  	s28 =	ssub.s32 $0x0, s3;
	s11 =	simm.s32 $0x7000;
	[smem:$0x7F8] =	sst s14  }
0x36: {  	s4 =	sadd.s32 s2, s21;
	s2 =	sadd.s32 $0xB9380, s2;
	[dreg:$0x19] =	wrdreg s10  }
0x37: {  	s13 =	simm.s32 $0x2;
	s15 =	sadd.s32 $0x1300, s10;
	[dreg:$0x1b] =	wrdreg s2  }
0x38: {  	s12 =	sand.u32 $0x3, s28;
	s21 =	sor.u32 $0x80, s14;
	[smem:$0x7F7] =	sst s15  }
0x39: {  	s25 =	sadd.s32 $0x80, s10;
	s28 =	sadd.s32 $0x180, s10;
	[smem:$0x7F9] =	sst s21  }
.Ltmp0:
0x3a: {  	s0 =	sshll.u32 s12, $0x8;
	[smem:$0x7FB] =	sst s25;
	(pc) =	sbr.rel .LBB2_1-.Ltmp0, $4  }
0x3b: {  	s4 =	sadd.s32 $0x100, s4;
	[smem:$0x7FD] =	sst s28;
	s0 =	sadd.s32 $0x180, s0  }
0x3c: {  	s21 =	simm.s32 $0x3000;
	[smem:$0x7F5] =	sst s0;
	s0 =	simm.s32 @!p2 $0x0  }
0x3d: {  	s12 =	simm.s32 $0x3;
	[dreg:$0x1a] =	wrdreg s4;
	s0 =	simm.s32 @p2 $0x1  }
0x3e: {  	s25 =	simm.s32 $0x0;
	p2 =	sne.s32 s3, $0x0;
	[smem:$0x7F6] =	sst s0  }
.LBB2_12:
0x3f: {  	_ =	swait.ge [sflag:s24], $0x4000  }
0x40: {  	[sflag:s24] =	ssyncset.done $0x0  }
0x41: {  	s0 =	rddreg [dreg:$0x18];
	[sflag:s24] =	ssyncadd.s32 $0xFFFFC000  }
0x42: {  	[tilespmem:s21], [sflag:$0x5] =	stream.strided.gather [hbm4b:s0+s30], $0x4000, s31, s30, $0x38;
	[tilespmem:$0x1E880] =	vst v63  }
0x43: {  	_ =	swait.ge [sflag:s29], $0x4000  }
0x44: {  	s26 =	sld [smem:$0x7F7]  }
0x45: {  	[sflag:s29] =	ssyncset.done $0x0  }
0x46: {  	p3 =	por !p5, !p5;
	[sflag:s29] =	ssyncadd.s32 $0xFFFFC000  }
0x47: {  	[spmem:s1] =	stream.indirect.scatter.add.f32 [tilespmem:s21], [sflag:$0x5], $0x80, s26, s7, $0xb8;
	[tilespmem:$0x1E880] =	vst v63  }
0x48: {  	p6 =	por p1, p3;
	_ =	swait.ge [sflag:s29], $0x4000  }
0x49: {  	p3 =	por !p4, !p4;
	s2 =	sshrl.u32 @!p6 s5, $0x3;
	[sflag:s29] =	ssyncset.done $0x0  }
0x4a: {  	s4 =	simm.s32 @!p6 $0x8;
	s8 =	simm.s32 @!p6 $0x280;
	[sflag:s29] =	ssyncadd.s32 $0xFFFFC000  }
0x4b: {  	s10 =	simm.s32 @!p6 $0x80;
	s0 =	sshll.u32 @!p6 s3, $0x6;
	[bflag:$0x0] =	sbarrier.arrive $0xFFFF  }
0x4c: {  	p3 =	por p1, p3;
	s0 =	sor.u32 @!p6 $0x1C05, s0;
	s14 =	rddreg [dreg:$0x1a]  }
0x4d: {  	[hbm:s14@s8], [sflag:s0] =	dma.strided @!p6 [spmem:s2@s10], $0x2780, s4, $0x10   }
0x4e: {  	s0 =	simm.s32 @!p6 $0x5;
	s2 =	sshll.u32 @!p3 s3, $0x6  }
0x4f: {  	s4 =	simm.s32 @!p3 $0x8;
	s8 =	simm.s32 @!p3 $0x280;
	_ =	swait.ge @!p6 [sflag:s0], $0x2780  }
0x50: {  	s10 =	simm.s32 @!p3 $0x80;
	[sflag:s0] =	ssyncset.done @!p6 $0x0;
	s14 =	rddreg [dreg:$0x1b]  }
0x51: {  	[sflag:s0] =	ssyncadd.s32 @!p6 $0xFFFFD880;
	s0 =	sor.u32 @!p3 $0x1C05, s2;
	s2 =	sshrl.u32 @!p3 s16, $0x3  }
0x52: {  	[hbm:s14@s8], [sflag:s0] =	dma.strided @!p3 [spmem:s2@s10], $0x2080, s4, $0x10   }
0x53: {  	p6 =	por !p5, !p0;
	s0 =	simm.s32 @!p3 $0x5  }
0x54: {  	p5 =	por !p6, !p6;
	_ =	swait.ge @!p3 [sflag:s0], $0x2080  }
0x55: {  	s2 =	sshll.u32 @p5 s3, $0x6;
	[sflag:s0] =	ssyncset.done @!p3 $0x0;
	s4 =	rddreg [dreg:$0x1c]  }
0x56: {  	[sflag:s0] =	ssyncadd.s32 @!p3 $0xFFFFDF80;
	s0 =	sor.u32 @p5 $0x1C05, s2;
	s2 =	sshrl.u32 @p5 s5, $0x3  }
0x57: {  	[hbm:s4], [sflag:s0] =	dma.local @p5 [spmem:s2], $0x2780  }
0x58: {  	p6 =	por !p4, !p0;
	s0 =	simm.s32 @p5 $0x5  }
0x59: {  	p3 =	por !p6, !p6;
	_ =	swait.ge @p5 [sflag:s0], $0x2780  }
0x5a: {  	s2 =	sshll.u32 @p3 s3, $0x6;
	[sflag:s0] =	ssyncset.done @p5 $0x0;
	s4 =	rddreg [dreg:$0x1f]  }
0x5b: {  	[sflag:s0] =	ssyncadd.s32 @p5 $0xFFFFD880;
	s0 =	sor.u32 @p3 $0x1C05, s2;
	s2 =	sshrl.u32 @p3 s16, $0x3  }
0x5c: {  	[hbm:s4], [sflag:s0] =	dma.local @p3 [spmem:s2], $0x2080  }
0x5d: {  	s0 =	simm.s32 @p3 $0x5  }
0x5e: {  	_ =	swait.ge @p3 [sflag:s0], $0x2080  }
0x5f: {  	s28 =	sld [smem:$0x7F4];
	_ =	sdelay $0x1  }
0x60: {  	s25 =	sadd.s32 $0x1, s25;
	[sflag:s0] =	ssyncset.done @p3 $0x0  }
0x61: {  	[sflag:s0] =	ssyncadd.s32 @p3 $0xFFFFDF80;
	p3 =	sne.s32 s25, s28  }
.Ltmp1:
0x62: {  	_ = 	snop;
	(pc) =	sbr.rel @!p3 .LBB2_13-.Ltmp1, $2  }
0x63: {  	_ =	sdelay $0x1  }
0x64: {  	[bflag:$0x0] =	sbarrier.arrive $0xFFFF;
	_ =	sdelay $0x1  }
.LBB2_1:
0x65: {  	s0 =	rddreg [dreg:$0x4]  }
0x66: {  	[tilespmem:s23], [sflag:$0x5] =	stream.linear.gather [hbm4b:s0+s23], $0x2C00, $0x38;
	[tilespmem:$0x1E880] =	vst v63  }
0x67: {  	_ =	swait.ge [sflag:s29], $0x2C00  }
0x68: {  	s28 =	sld [smem:$0x7F6];
	_ =	sdelay $0x2  }
0x69: {  	p3 =	seq.s32 s28, $0x1  }
.Ltmp2:
0x6a: {  	_ = 	snop;
	(pc) =	sbr.rel @p3 .LBB2_14-.Ltmp2, $3  }
0x6b: {  	_ =	sdelay $0x1  }
0x6c: {  	s26 =	sshll.u32 s3, $0x6;
	[sflag:s29] =	ssyncset.done $0x0  }
0x6d: {  	s8 =	sor.u32 $0x1C05, s26;
	[sflag:s29] =	ssyncadd.s32 $0xFFFFD400  }
0x6e: {  	s0 =	simm.s32 @!p2 $0x0;
	s2 =	simm.s32 @!p2 $0x2C00;
	s4 =	rddreg [dreg:$0x1d]  }
0x6f: {  	[tilespmem:s2], [sflag:$0x5] =	stream.linear.gather @!p2 [hbm4b:s4+s0], $0x400, $0x38;
	[tilespmem:$0x1E880] =	vst v63  }
0x70: {  	s0 =	simm.s32 @!p2 $0x5  }
0x71: {  	_ =	swait.ge @!p2 [sflag:s0], $0x400  }
0x72: {  	[sflag:s0] =	ssyncset.done @!p2 $0x0  }
0x73: {  	s15 =	sshrl.u32 s5, $0x3;
	[sflag:s0] =	ssyncadd.s32 @!p2 $0xFFFFFC00  }
0x74: {  	[spmem:s15], [sflag:s8] =	dma.local [hbm:s6], $0x2780  }
0x75: {  	_ =	swait.ge [sflag:s29], $0x2780  }
0x76: {  	[sflag:s29] =	ssyncset.done $0x0  }
0x77: {  	[sflag:s29] =	ssyncadd.s32 $0xFFFFD880  }
0x78: {  	s26 =	simm.s32 @!p2 $0x3000;
	[bflag:$0x0] =	sbarrier.arrive $0xFFFF  }
0x79: {  	s8 =	simm.s32 @!p2 $0x400;
	s15 =	simm.s32 @!p2 $0x1400;
	s4 =	rddreg [dreg:$0xf]  }
0x7a: {  	[tilespmem:s26], [sflag:$0x5] =	stream.strided.gather @!p2 [hbm4b:s4+s8], $0x4000, s15, s8, $0x38;
	[tilespmem:$0x1E880] =	vst v63  }
0x7b: {  	_ =	swait.ge @!p2 [sflag:s0], $0x4000  }
0x7c: {  	[sflag:s0] =	ssyncset.done @!p2 $0x0  }
0x7d: {  	s28 =	simm.s32 @!p2 $0x80;
	[sflag:s0] =	ssyncadd.s32 @!p2 $0xFFFFC000  }
0x7e: {  	[spmem:s1] =	stream.indirect.scatter.add.f32 @!p2 [tilespmem:s26], [sflag:$0x5], $0x80, s2, s28, $0xb8;
	[tilespmem:$0x1E880] =	vst v63  }
0x7f: {  	_ =	swait.ge @!p2 [sflag:s0], $0x4000  }
0x80: {  	[sflag:s0] =	ssyncset.done @!p2 $0x0  }
0x81: {  	s2 =	rddreg [dreg:$0x10];
	[sflag:s0] =	ssyncadd.s32 @!p2 $0xFFFFC000  }
0x82: {  	[tilespmem:s26], [sflag:$0x5] =	stream.strided.gather @!p2 [hbm4b:s2+s8], $0x4000, s15, s8, $0x38;
	[tilespmem:$0x1E880] =	vst v63  }
0x83: {  	_ =	swait.ge @!p2 [sflag:s0], $0x4000  }
0x84: {  	[sflag:s0] =	ssyncset.done @!p2 $0x0  }
.Ltmp3:
0x85: {  	s2 =	simm.s32 @!p2 $0x2C80;
	[sflag:s0] =	ssyncadd.s32 @!p2 $0xFFFFC000;
	(pc) =	sbr.rel .LBB2_3-.Ltmp3, $4  }
0x86: {  	[spmem:s1] =	stream.indirect.scatter.add.f32 @!p2 [tilespmem:s26], [sflag:$0x5], $0x80, s2, s28, $0xb8;
	[tilespmem:$0x1E880] =	vst v63  }
0x87: {  	p3 =	por @!p2 $0x0, $0x0;
	p6 =	por @!p2 $0x1, $0x1;
	_ =	swait.ge @!p2 [sflag:s0], $0x4000  }
0x88: {  	p5 =	por $0x1, $0x1;
	p4 =	por $0x0, $0x0;
	[sflag:s0] =	ssyncset.done @!p2 $0x0  }
0x89: {  	p5 =	por @!p2 p6, p6;
	p4 =	por @!p2 p3, p3;
	[sflag:s0] =	ssyncadd.s32 @!p2 $0xFFFFC000  }
.LBB2_14:
0x8a: {  	s0 =	sshrl.u32 s16, $0x3;
	s2 =	rddreg [dreg:$0x1e]  }
0x8b: {  	[spmem:s0], [sflag:s8] =	dma.local [hbm:s2], $0x2080  }
0x8c: {  	_ =	swait.ge [sflag:s29], $0x2080  }
0x8d: {  	[sflag:s29] =	ssyncset.done $0x0  }
0x8e: {  	[sflag:s29] =	ssyncadd.s32 $0xFFFFDF80  }
0x8f: {  	p4 =	por $0x1, $0x1;
	p5 =	por $0x0, $0x0;
	[bflag:$0x0] =	sbarrier.arrive $0xFFFF  }
.LBB2_3:
0x90: {  	s0 =	rddreg [dreg:$0x5]  }
0x91: {  	[tilespmem:s21], [sflag:$0x1] =	stream.strided.gather [hbm4b:s0+s30], $0x4000, s31, s30, $0x38;
	[tilespmem:$0x1E880] =	vst v63  }
0x92: {  	_ =	swait.ge [sflag:s22], $0x4000  }
0x93: {  	s14 =	sld [smem:$0x7F8]  }
0x94: {  	[sflag:s22] =	ssyncset.done $0x0  }
0x95: {  	[sflag:s22] =	ssyncadd.s32 $0xFFFFC000  }
0x96: {  	[spmem:s1] =	stream.indirect.scatter.add.f32 [tilespmem:s21], [sflag:$0x3], $0x80, s14, s7, $0xb8;
	[tilespmem:$0x1E880] =	vst v63  }
0x97: {  	s15 =	rddreg [dreg:$0xb]  }
0x98: {  	[tilespmem:s11], [sflag:$0x2] =	stream.strided.gather [hbm4b:s15+s30], $0x4000, s31, s30, $0x38;
	[tilespmem:$0x1E880] =	vst v63  }
0x99: {  	_ =	swait.ge [sflag:s13], $0x4000  }
0x9a: {  	s26 =	sld [smem:$0x7F9]  }
0x9b: {  	[sflag:s13] =	ssyncset.done $0x0  }
0x9c: {  	[sflag:s13] =	ssyncadd.s32 $0xFFFFC000  }
0x9d: {  	[spmem:s1] =	stream.indirect.scatter.add.f32 [tilespmem:s11], [sflag:$0x4], $0x80, s26, s7, $0xb8;
	[tilespmem:$0x1E880] =	vst v63  }
0x9e: {  	_ =	swait.ge [sflag:s12], $0x4000  }
0x9f: {  	[sflag:s12] =	ssyncset.done $0x0;
	s28 =	rddreg [dreg:$0xc]  }
0xa0: {  	s0 =	simm.s32 $0x0;
	s2 =	sld [smem:$0x7F5];
	[sflag:s12] =	ssyncadd.s32 $0xFFFFC000  }
0xa1: {  	[tilespmem:s21], [sflag:$0x1] =	stream.strided.gather [hbm4b:s28+s30], $0x4000, s31, s30, $0x38;
	[tilespmem:$0x1E880] =	vst v63  }
.LBB2_4:
0xa2: {  	_ =	swait.ge [sflag:s22], $0x4000  }
0xa3: {  	[sflag:s22] =	ssyncset.done $0x0  }
0xa4: {  	s8 =	sadd.s32 $0xFFFFFF80, s2;
	[sflag:s22] =	ssyncadd.s32 $0xFFFFC000  }
0xa5: {  	[spmem:s1] =	stream.indirect.scatter.add.f32 [tilespmem:s21], [sflag:$0x3], $0x80, s8, s7, $0xb8;
	[tilespmem:$0x1E880] =	vst v63  }
0xa6: {  	_ =	swait.ge [sflag:s24], $0x4000  }
0xa7: {  	[sflag:s24] =	ssyncset.done $0x0  }
0xa8: {  	s28 =	sadd.s32 s0, s18;
	[sflag:s24] =	ssyncadd.s32 $0xFFFFC000  }
0xa9: {  	[tilespmem:s11], [sflag:$0x2] =	stream.strided.gather [hbm4b:s28+s30], $0x4000, s31, s30, $0x38;
	[tilespmem:$0x1E880] =	vst v63  }
0xaa: {  	_ =	swait.ge [sflag:s13], $0x4000  }
0xab: {  	p3 =	seq.s32 s0, $0xB9000;
	[sflag:s13] =	ssyncset.done $0x0  }
.Ltmp4:
0xac: {  	[sflag:s13] =	ssyncadd.s32 $0xFFFFC000;
	(pc) =	sbr.rel @p3 .LBB2_6-.Ltmp4, $4  }
0xad: {  	[spmem:s1] =	stream.indirect.scatter.add.f32 [tilespmem:s11], [sflag:$0x4], $0x80, s2, s7, $0xb8;
	[tilespmem:$0x1E880] =	vst v63  }
0xae: {  	_ =	swait.ge [sflag:s12], $0x4000  }
0xaf: {  	[sflag:s12] =	ssyncset.done $0x0  }
0xb0: {  	[sflag:s12] =	ssyncadd.s32 $0xFFFFC000  }
.Ltmp5:
0xb1: {  	(pc) =	sbr.rel .LBB2_4-.Ltmp5, $3  }
0xb2: {  	_ =	sdelay $0x1  }
0xb3: {  	s8 =	sadd.s32 s0, s17;
	s0 =	sadd.s32 $0x5000, s0;
	s2 =	sadd.s32 $0x100, s2  }
0xb4: {  	[tilespmem:s21], [sflag:$0x1] =	stream.strided.gather [hbm4b:s8+s30], $0x4000, s31, s30, $0x38;
	[tilespmem:$0x1E880] =	vst v63  }
.LBB2_6:
0xb5: {  	_ =	swait.ge [sflag:s24], $0x4000  }
0xb6: {  	[sflag:s24] =	ssyncset.done $0x0  }
0xb7: {  	s0 =	sshll.u32 @p5 s3, $0x6;
	s28 =	sshrl.u32 @p5 s5, $0x3;
	[sflag:s24] =	ssyncadd.s32 $0xFFFFC000  }
0xb8: {  	s2 =	simm.s32 @p5 $0x280;
	s8 =	simm.s32 @p5 $0x80;
	[bflag:$0x0] =	sbarrier.arrive $0xFFFF  }
0xb9: {  	s26 =	sor.u32 @p5 $0x1C05, s0;
	s0 =	simm.s32 @p5 $0x8;
	s4 =	rddreg [dreg:$0x11]  }
0xba: {  	[hbm:s4@s2], [sflag:s26] =	dma.strided @p5 [spmem:s28@s8], $0x2780, s0, $0x10   }
0xbb: {  	s15 =	simm.s32 @p4 $0x8;
	s8 =	simm.s32 @p5 $0x5  }
0xbc: {  	s14 =	simm.s32 @p4 $0x80;
	s0 =	sshll.u32 @p4 s3, $0x6;
	_ =	swait.ge @p5 [sflag:s8], $0x2780  }
0xbd: {  	s2 =	sshrl.u32 @p4 s16, $0x3;
	s4 =	simm.s32 @p4 $0x280;
	[sflag:s8] =	ssyncset.done @p5 $0x0  }
0xbe: {  	s0 =	sor.u32 @p4 $0x1C05, s0;
	s10 =	rddreg [dreg:$0x15];
	[sflag:s8] =	ssyncadd.s32 @p5 $0xFFFFD880  }
0xbf: {  	[hbm:s10@s4], [sflag:s0] =	dma.strided @p4 [spmem:s2@s14], $0x2080, s15, $0x10   }
0xc0: {  	s4 =	simm.s32 @p4 $0x5  }
0xc1: {  	_ =	swait.ge @p4 [sflag:s4], $0x2080  }
0xc2: {  	[sflag:s4] =	ssyncset.done @p4 $0x0  }
0xc3: {  	[sflag:s4] =	ssyncadd.s32 @p4 $0xFFFFDF80  }
0xc4: {  	[bflag:$0x0] =	sbarrier.arrive $0xFFFF  }
0xc5: {  	s15 =	rddreg [dreg:$0x4]  }
0xc6: {  	[tilespmem:s23], [sflag:$0x5] =	stream.linear.gather [hbm4b:s15+s23], $0x2C00, $0x38;
	[tilespmem:$0x1E880] =	vst v63  }
0xc7: {  	_ =	swait.ge [sflag:s29], $0x2C00  }
0xc8: {  	s14 =	simm.s32 @!p2 $0x0;
	[sflag:s29] =	ssyncset.done $0x0  }
0xc9: {  	s15 =	simm.s32 @!p2 $0x2C00;
	s10 =	rddreg [dreg:$0x1d];
	[sflag:s29] =	ssyncadd.s32 $0xFFFFD400  }
0xca: {  	[tilespmem:s15], [sflag:$0x5] =	stream.linear.gather @!p2 [hbm4b:s10+s14], $0x400, $0x38;
	[tilespmem:$0x1E880] =	vst v63  }
0xcb: {  	s14 =	simm.s32 @!p2 $0x5  }
0xcc: {  	_ =	swait.ge @!p2 [sflag:s14], $0x400  }
0xcd: {  	[sflag:s14] =	ssyncset.done @!p2 $0x0  }
0xce: {  	[sflag:s14] =	ssyncadd.s32 @!p2 $0xFFFFFC00  }
0xcf: {  	[spmem:s28], [sflag:s26] =	dma.local @p5 [hbm:s6], $0x2780  }
0xd0: {  	_ =	swait.ge @p5 [sflag:s8], $0x2780  }
0xd1: {  	[sflag:s8] =	ssyncset.done @p5 $0x0  }
0xd2: {  	[sflag:s8] =	ssyncadd.s32 @p5 $0xFFFFD880;
	s8 =	rddreg [dreg:$0x1e]  }
0xd3: {  	[spmem:s2], [sflag:s0] =	dma.local @p4 [hbm:s8], $0x2080  }
0xd4: {  	_ =	swait.ge @p4 [sflag:s4], $0x2080  }
0xd5: {  	[sflag:s4] =	ssyncset.done @p4 $0x0  }
0xd6: {  	[sflag:s4] =	ssyncadd.s32 @p4 $0xFFFFDF80  }
0xd7: {  	s23 =	simm.s32 @!p2 $0x3000;
	[bflag:$0x0] =	sbarrier.arrive $0xFFFF  }
0xd8: {  	s8 =	simm.s32 @!p2 $0x1400;
	s4 =	simm.s32 @!p2 $0x400;
	s10 =	rddreg [dreg:$0x12]  }
0xd9: {  	[tilespmem:s23], [sflag:$0x5] =	stream.strided.gather @!p2 [hbm4b:s10+s4], $0x4000, s8, s4, $0x38;
	[tilespmem:$0x1E880] =	vst v63  }
0xda: {  	_ =	swait.ge @!p2 [sflag:s14], $0x4000  }
0xdb: {  	[sflag:s14] =	ssyncset.done @!p2 $0x0  }
0xdc: {  	s10 =	simm.s32 @!p2 $0x80;
	[sflag:s14] =	ssyncadd.s32 @!p2 $0xFFFFC000  }
0xdd: {  	[spmem:s1] =	stream.indirect.scatter.add.f32 @!p2 [tilespmem:s23], [sflag:$0x5], $0x80, s15, s10, $0xb8;
	[tilespmem:$0x1E880] =	vst v63  }
0xde: {  	_ =	swait.ge @!p2 [sflag:s14], $0x4000  }
0xdf: {  	[sflag:s14] =	ssyncset.done @!p2 $0x0  }
0xe0: {  	s15 =	rddreg [dreg:$0x13];
	[sflag:s14] =	ssyncadd.s32 @!p2 $0xFFFFC000  }
0xe1: {  	[tilespmem:s23], [sflag:$0x5] =	stream.strided.gather @!p2 [hbm4b:s15+s4], $0x4000, s8, s4, $0x38;
	[tilespmem:$0x1E880] =	vst v63  }
0xe2: {  	_ =	swait.ge @!p2 [sflag:s14], $0x4000  }
0xe3: {  	[sflag:s14] =	ssyncset.done @!p2 $0x0  }
0xe4: {  	s4 =	simm.s32 @!p2 $0x2C80;
	[sflag:s14] =	ssyncadd.s32 @!p2 $0xFFFFC000  }
0xe5: {  	[spmem:s1] =	stream.indirect.scatter.add.f32 @!p2 [tilespmem:s23], [sflag:$0x5], $0x80, s4, s10, $0xb8;
	[tilespmem:$0x1E880] =	vst v63  }
0xe6: {  	_ =	swait.ge @!p2 [sflag:s14], $0x4000  }
0xe7: {  	[sflag:s14] =	ssyncset.done @!p2 $0x0  }
0xe8: {  	s8 =	rddreg [dreg:$0x8];
	[sflag:s14] =	ssyncadd.s32 @!p2 $0xFFFFC000  }
0xe9: {  	[tilespmem:s21], [sflag:$0x1] =	stream.strided.gather [hbm4b:s8+s30], $0x4000, s31, s30, $0x38;
	[tilespmem:$0x1E880] =	vst v63  }
0xea: {  	_ =	swait.ge [sflag:s22], $0x4000  }
0xeb: {  	s10 =	sld [smem:$0x7F8]  }
0xec: {  	[sflag:s22] =	ssyncset.done $0x0  }
0xed: {  	[sflag:s22] =	ssyncadd.s32 $0xFFFFC000  }
0xee: {  	[spmem:s1] =	stream.indirect.scatter.add.f32 [tilespmem:s21], [sflag:$0x3], $0x80, s10, s7, $0xb8;
	[tilespmem:$0x1E880] =	vst v63  }
0xef: {  	s14 =	rddreg [dreg:$0xd]  }
0xf0: {  	[tilespmem:s11], [sflag:$0x2] =	stream.strided.gather [hbm4b:s14+s30], $0x4000, s31, s30, $0x38;
	[tilespmem:$0x1E880] =	vst v63  }
0xf1: {  	_ =	swait.ge [sflag:s13], $0x4000  }
0xf2: {  	s15 =	sld [smem:$0x7F9]  }
0xf3: {  	[sflag:s13] =	ssyncset.done $0x0  }
0xf4: {  	[sflag:s13] =	ssyncadd.s32 $0xFFFFC000  }
0xf5: {  	[spmem:s1] =	stream.indirect.scatter.add.f32 [tilespmem:s11], [sflag:$0x4], $0x80, s15, s7, $0xb8;
	[tilespmem:$0x1E880] =	vst v63  }
0xf6: {  	_ =	swait.ge [sflag:s12], $0x4000  }
0xf7: {  	[sflag:s12] =	ssyncset.done $0x0;
	s23 =	rddreg [dreg:$0xe]  }
0xf8: {  	s8 =	simm.s32 $0x0;
	s15 =	sld [smem:$0x7F5];
	[sflag:s12] =	ssyncadd.s32 $0xFFFFC000  }
0xf9: {  	[tilespmem:s21], [sflag:$0x1] =	stream.strided.gather [hbm4b:s23+s30], $0x4000, s31, s30, $0x38;
	[tilespmem:$0x1E880] =	vst v63  }
.LBB2_7:
0xfa: {  	_ =	swait.ge [sflag:s22], $0x4000  }
0xfb: {  	[sflag:s22] =	ssyncset.done $0x0  }
0xfc: {  	s4 =	sadd.s32 $0xFFFFFF80, s15;
	[sflag:s22] =	ssyncadd.s32 $0xFFFFC000  }
0xfd: {  	[spmem:s1] =	stream.indirect.scatter.add.f32 [tilespmem:s21], [sflag:$0x3], $0x80, s4, s7, $0xb8;
	[tilespmem:$0x1E880] =	vst v63  }
0xfe: {  	_ =	swait.ge [sflag:s24], $0x4000  }
0xff: {  	[sflag:s24] =	ssyncset.done $0x0  }
0x100: {  	s23 =	sadd.s32 s8, s20;
	[sflag:s24] =	ssyncadd.s32 $0xFFFFC000  }
0x101: {  	[tilespmem:s11], [sflag:$0x2] =	stream.strided.gather [hbm4b:s23+s30], $0x4000, s31, s30, $0x38;
	[tilespmem:$0x1E880] =	vst v63  }
0x102: {  	_ =	swait.ge [sflag:s13], $0x4000  }
0x103: {  	p3 =	seq.s32 s8, $0xB9000;
	[sflag:s13] =	ssyncset.done $0x0  }
.Ltmp6:
0x104: {  	[sflag:s13] =	ssyncadd.s32 $0xFFFFC000;
	(pc) =	sbr.rel @p3 .LBB2_9-.Ltmp6, $4  }
0x105: {  	[spmem:s1] =	stream.indirect.scatter.add.f32 [tilespmem:s11], [sflag:$0x4], $0x80, s15, s7, $0xb8;
	[tilespmem:$0x1E880] =	vst v63  }
0x106: {  	_ =	swait.ge [sflag:s12], $0x4000  }
0x107: {  	[sflag:s12] =	ssyncset.done $0x0  }
0x108: {  	[sflag:s12] =	ssyncadd.s32 $0xFFFFC000  }
.Ltmp7:
0x109: {  	(pc) =	sbr.rel .LBB2_7-.Ltmp7, $3  }
0x10a: {  	_ =	sdelay $0x1  }
0x10b: {  	s4 =	sadd.s32 s8, s19;
	s8 =	sadd.s32 $0x5000, s8;
	s15 =	sadd.s32 $0x100, s15  }
0x10c: {  	[tilespmem:s21], [sflag:$0x1] =	stream.strided.gather [hbm4b:s4+s30], $0x4000, s31, s30, $0x38;
	[tilespmem:$0x1E880] =	vst v63  }
.LBB2_9:
0x10d: {  	_ =	swait.ge [sflag:s24], $0x4000  }
0x10e: {  	[sflag:s24] =	ssyncset.done $0x0  }
0x10f: {  	[sflag:s24] =	ssyncadd.s32 $0xFFFFC000  }
0x110: {  	s4 =	simm.s32 @p5 $0x8;
	[bflag:$0x0] =	sbarrier.arrive $0xFFFF  }
0x111: {  	s8 =	simm.s32 @p5 $0x280;
	s10 =	simm.s32 @p5 $0x80;
	s14 =	rddreg [dreg:$0x14]  }
0x112: {  	[hbm:s14@s8], [sflag:s26] =	dma.strided @p5 [spmem:s28@s10], $0x2780, s4, $0x10   }
0x113: {  	s4 =	simm.s32 @p5 $0x5  }
0x114: {  	_ =	swait.ge @p5 [sflag:s4], $0x2780  }
0x115: {  	s8 =	simm.s32 @p4 $0x8;
	s10 =	simm.s32 @p4 $0x280;
	[sflag:s4] =	ssyncset.done @p5 $0x0  }
0x116: {  	s14 =	simm.s32 @p4 $0x80;
	s15 =	rddreg [dreg:$0x16];
	[sflag:s4] =	ssyncadd.s32 @p5 $0xFFFFD880  }
0x117: {  	[hbm:s15@s10], [sflag:s0] =	dma.strided @p4 [spmem:s2@s14], $0x2080, s8, $0x10   }
0x118: {  	s8 =	simm.s32 @p4 $0x5  }
0x119: {  	_ =	swait.ge @p4 [sflag:s8], $0x2080  }
0x11a: {  	[sflag:s8] =	ssyncset.done @p4 $0x0  }
0x11b: {  	[sflag:s8] =	ssyncadd.s32 @p4 $0xFFFFDF80  }
0x11c: {  	[bflag:$0x0] =	sbarrier.arrive $0xFFFF  }
0x11d: {  	s23 =	simm.s32 $0x0;
	s15 =	rddreg [dreg:$0x6]  }
0x11e: {  	[tilespmem:s23], [sflag:$0x5] =	stream.linear.gather [hbm4b:s15+s23], $0x2C00, $0x38;
	[tilespmem:$0x1E880] =	vst v63  }
0x11f: {  	_ =	swait.ge [sflag:s29], $0x2C00  }
0x120: {  	s10 =	simm.s32 @!p2 $0x0;
	[sflag:s29] =	ssyncset.done $0x0  }
0x121: {  	s14 =	simm.s32 @!p2 $0x2C00;
	s15 =	rddreg [dreg:$0x7];
	[sflag:s29] =	ssyncadd.s32 $0xFFFFD400  }
0x122: {  	[tilespmem:s14], [sflag:$0x5] =	stream.linear.gather @!p2 [hbm4b:s15+s10], $0x400, $0x38;
	[tilespmem:$0x1E880] =	vst v63  }
0x123: {  	s10 =	simm.s32 @!p2 $0x5  }
0x124: {  	_ =	swait.ge @!p2 [sflag:s10], $0x400  }
0x125: {  	[sflag:s10] =	ssyncset.done @!p2 $0x0  }
0x126: {  	[sflag:s10] =	ssyncadd.s32 @!p2 $0xFFFFFC00  }
0x127: {  	[spmem:s28], [sflag:s26] =	dma.local @p5 [hbm:s6], $0x2780  }
0x128: {  	_ =	swait.ge @p5 [sflag:s4], $0x2780  }
0x129: {  	[sflag:s4] =	ssyncset.done @p5 $0x0  }
0x12a: {  	[sflag:s4] =	ssyncadd.s32 @p5 $0xFFFFD880;
	s4 =	rddreg [dreg:$0x1e]  }
0x12b: {  	[spmem:s2], [sflag:s0] =	dma.local @p4 [hbm:s4], $0x2080  }
0x12c: {  	_ =	swait.ge @p4 [sflag:s8], $0x2080  }
0x12d: {  	[sflag:s8] =	ssyncset.done @p4 $0x0  }
0x12e: {  	[sflag:s8] =	ssyncadd.s32 @p4 $0xFFFFDF80  }
0x12f: {  	s0 =	simm.s32 @!p2 $0x400;
	[bflag:$0x0] =	sbarrier.arrive $0xFFFF  }
0x130: {  	s2 =	simm.s32 @!p2 $0x1400;
	s4 =	simm.s32 @!p2 $0x3000;
	s8 =	rddreg [dreg:$0x9]  }
0x131: {  	[tilespmem:s4], [sflag:$0x5] =	stream.strided.gather @!p2 [hbm4b:s8+s0], $0x4000, s2, s0, $0x38;
	[tilespmem:$0x1E880] =	vst v63  }
0x132: {  	_ =	swait.ge @!p2 [sflag:s10], $0x4000  }
0x133: {  	[sflag:s10] =	ssyncset.done @!p2 $0x0  }
0x134: {  	s0 =	simm.s32 @!p2 $0x80;
	s2 =	rddreg [dreg:$0x17];
	[sflag:s10] =	ssyncadd.s32 @!p2 $0xFFFFC000  }
0x135: {  	[spmem:s1] =	stream.indirect.scatter.add.f32 @!p2 [tilespmem:s4], [sflag:$0x5], $0x80, s2, s0, $0xb8;
	[tilespmem:$0x1E880] =	vst v63  }
0x136: {  	_ =	swait.ge @!p2 [sflag:s10], $0x4000  }
0x137: {  	[sflag:s10] =	ssyncset.done @!p2 $0x0  }
0x138: {  	[sflag:s10] =	ssyncadd.s32 @!p2 $0xFFFFC000;
	s10 =	rddreg [dreg:$0xa]  }
0x139: {  	[tilespmem:s21], [sflag:$0x1] =	stream.strided.gather [hbm4b:s10+s30], $0x4000, s31, s30, $0x38;
	[tilespmem:$0x1E880] =	vst v63  }
0x13a: {  	_ =	swait.ge [sflag:s22], $0x4000  }
0x13b: {  	[sflag:s22] =	ssyncset.done $0x0;
	s14 =	rddreg [dreg:$0x19]  }
0x13c: {  	s15 =	sld [smem:$0x7FA];
	[sflag:s22] =	ssyncadd.s32 $0xFFFFC000  }
0x13d: {  	[spmem:s1] =	stream.indirect.scatter.add.f32 [tilespmem:s21], [sflag:$0x3], $0x80, s14, s7, $0xb8;
	[tilespmem:$0x1E880] =	vst v63  }
0x13e: {  	_ = 	snop  }
0x13f: {  	[tilespmem:s11], [sflag:$0x2] =	stream.strided.gather [hbm4b:s15+s30], $0x4000, s31, s30, $0x38;
	[tilespmem:$0x1E880] =	vst v63  }
0x140: {  	_ =	swait.ge [sflag:s13], $0x4000  }
0x141: {  	s26 =	sld [smem:$0x7FB]  }
0x142: {  	[sflag:s13] =	ssyncset.done $0x0  }
0x143: {  	[sflag:s13] =	ssyncadd.s32 $0xFFFFC000  }
0x144: {  	[spmem:s1] =	stream.indirect.scatter.add.f32 [tilespmem:s11], [sflag:$0x4], $0x80, s26, s7, $0xb8;
	[tilespmem:$0x1E880] =	vst v63  }
0x145: {  	_ =	swait.ge [sflag:s12], $0x4000  }
0x146: {  	s28 =	sld [smem:$0x7FC]  }
0x147: {  	[sflag:s12] =	ssyncset.done $0x0  }
0x148: {  	s0 =	simm.s32 $0x0;
	s2 =	sld [smem:$0x7FD];
	[sflag:s12] =	ssyncadd.s32 $0xFFFFC000  }
0x149: {  	[tilespmem:s21], [sflag:$0x1] =	stream.strided.gather [hbm4b:s28+s30], $0x4000, s31, s30, $0x38;
	[tilespmem:$0x1E880] =	vst v63  }
.LBB2_10:
0x14a: {  	_ =	swait.ge [sflag:s22], $0x4000  }
0x14b: {  	[sflag:s22] =	ssyncset.done $0x0  }
0x14c: {  	s4 =	sadd.s32 $0xFFFFFF80, s2;
	[sflag:s22] =	ssyncadd.s32 $0xFFFFC000  }
0x14d: {  	[spmem:s1] =	stream.indirect.scatter.add.f32 [tilespmem:s21], [sflag:$0x3], $0x80, s4, s7, $0xb8;
	[tilespmem:$0x1E880] =	vst v63  }
0x14e: {  	_ =	swait.ge [sflag:s24], $0x4000  }
0x14f: {  	s8 =	sadd.s32 s0, s9;
	[sflag:s24] =	ssyncset.done $0x0  }
0x150: {  	s28 =	sadd.s32 $0x7900, s8;
	[sflag:s24] =	ssyncadd.s32 $0xFFFFC000  }
0x151: {  	[tilespmem:s11], [sflag:$0x2] =	stream.strided.gather [hbm4b:s28+s30], $0x4000, s31, s30, $0x38;
	[tilespmem:$0x1E880] =	vst v63  }
0x152: {  	_ =	swait.ge [sflag:s13], $0x4000  }
0x153: {  	p3 =	seq.s32 s0, $0x55000;
	[sflag:s13] =	ssyncset.done $0x0  }
.Ltmp8:
0x154: {  	[sflag:s13] =	ssyncadd.s32 $0xFFFFC000;
	(pc) =	sbr.rel @p3 .LBB2_12-.Ltmp8, $4  }
0x155: {  	[spmem:s1] =	stream.indirect.scatter.add.f32 [tilespmem:s11], [sflag:$0x4], $0x80, s2, s7, $0xb8;
	[tilespmem:$0x1E880] =	vst v63  }
0x156: {  	_ =	swait.ge [sflag:s12], $0x4000  }
0x157: {  	[sflag:s12] =	ssyncset.done $0x0  }
0x158: {  	[sflag:s12] =	ssyncadd.s32 $0xFFFFC000  }
.Ltmp9:
0x159: {  	(pc) =	sbr.rel .LBB2_10-.Ltmp9, $3  }
0x15a: {  	_ =	sdelay $0x1  }
0x15b: {  	s4 =	sadd.s32 $0xA100, s8;
	s0 =	sadd.s32 $0x5000, s0;
	s2 =	sadd.s32 $0x100, s2  }
0x15c: {  	[tilespmem:s21], [sflag:$0x1] =	stream.strided.gather [hbm4b:s4+s30], $0x4000, s31, s30, $0x38;
	[tilespmem:$0x1E880] =	vst v63  }
.LBB2_13:
0x15d: {  	_ =	sfence.sel $0x180000  }
0x15e: {  	[bflag:$0x0] =	sbarrier.arrive $0xFFFF  }
0x15f: {  	_ =	strace $0x9000004A  }
0x160: {  	[bflag:$0x2] =	sbarrier.arrive $0xFFFF  }
0x161: {  	s0 =	rddreg [dreg:$0x3]  }
0x162: {  	s0 =	sadd.s32 @!p2 $0x100000, s0  }
0x163: {  	[sflag:s0] =	ssyncadd.tile.s32 @!p2 $0x1;
	_ =	shalt  }
.Lfunc_end2:
_tile_overlayer_lowered:
.L_overlay_start_2:
0x164: {  	(tag) =	ssettag $0x2  }
0x165: {  	s0 =	rddreg [dreg:$0x0];
	s2 =	stileid.u32  }
0x166: {  	s1 =	rddreg [dreg:$0x1];
	p0 =	sne.s32 s2, $0x0  }
0x167: {  	s3 =	rddreg [dreg:$0x2];
	[bflag:$0x3] =	sbarrier.arrive $0xFFFF;
	s2 =	simm.s32 @!p0 $0x1C05  }
0x168: {  	[timem:s3], [sflag:s2] =	dma.local @!p0 [hbm:s0], s1  }
0x169: {  	s0 =	simm.s32 @!p0 $0x5  }
0x16a: {  	_ =	swait.ge @!p0 [sflag:s0], s1  }
0x16b: {  	s1 =	ssub.s32 @!p0 $0x0, s1;
	[sflag:s0] =	ssyncset.done @!p0 $0x0  }
0x16c: {  	[sflag:s0] =	ssyncadd.s32 @!p0 s1  }
0x16d: {  	[bflag:$0x3] =	sbarrier.arrive $0xFFFF  }
0x16e: {  	_ =	shalt  }

</sc_bundles>
